<compile_context>
chip_gen: v7x
topology: tpu7x:2x2x1
jax: 0.10.2.dev20260603
libtpu: 0.0.44.dev20260713+nightly
codegen_flags: <defaults>
</compile_context>

<pallas_src>
import functools

import jax
import jax.numpy as jnp
from jax import lax
from jax.experimental import pallas as pl
from jax.experimental.pallas import tpu as pltpu
from jax.experimental.pallas import tpu_sc as plsc

G = 2
NV = 10001
N_IN = 10000
E = 160000
H = 128
NPAD = 10240
ROWS = 16
FLAT = ROWS * NPAD
NC = 2
NS = 16
EPT = 10240
CH = 2560
NCH = EPT // CH
TRASH = 15 * NPAD + NV
NPT = NPAD // NS
FPT = FLAT // NS


def _sc_body(nodes_hbm, edges_hbm, out_hbm,
             ty2_v, eb0, eb1, ones_v, zeros_v, ix0, ix1, ix2, ix3, idx_oh,
             shared, sem_ty, sem_e, sem_s):
    eb = (eb0, eb1)
    ix = (ix0, ix1, ix2, ix3)
    g = lax.axis_index("c")
    w = lax.axis_index("s")
    g16 = jnp.zeros((16,), jnp.int32) + g

    ty_dma = pltpu.async_copy(nodes_hbm, ty2_v, sem_ty)
    e_dmas = {}

    def fetch(c):
        ebase = w * EPT + c * CH
        base = jnp.minimum(ebase, E - CH)
        e_dmas[c] = (base, ebase, pltpu.async_copy(
            edges_hbm.at[g, :, pl.ds(base, CH)], eb[c % 2], sem_e))

    fetch(0)

    def fill_ones(i, _):
        ones_v[pl.ds(i * 16, 16)] = jnp.ones((16,), jnp.float32)
        return 0
    lax.fori_loop(0, CH // 16, fill_ones, 0)

    def fill_zeros(i, _):
        zeros_v[pl.ds(i * 16, 16)] = jnp.zeros((16,), jnp.float32)
        return 0
    lax.fori_loop(0, FPT // 16, fill_zeros, 0)

    pltpu.sync_copy(zeros_v, shared.at[pl.ds(w * FPT, FPT)])
    ty_dma.wait()
    plsc.subcore_barrier()

    def node_type(v16):
        idx = jnp.clip(v16 - 1, 0, N_IN - 1)
        t16 = plsc.load_gather(ty2_v, [g16, idx])
        return jnp.where(v16 == 0, 4, t16)

    scats = []
    for c in range(NCH):
        b = c % 2
        if c + 1 < NCH:
            fetch(c + 1)
        base, ebase, dma = e_dmas.pop(c)
        dma.wait()
        sv, dv, iv = eb[b], eb[b], ix[c]

        def vec(k, _, sv=sv, iv=iv, base=base, ebase=ebase):
            lidx = k * 16 + lax.iota(jnp.int32, 16)
            s16 = sv[0, pl.ds(k * 16, 16)]
            d16 = sv[1, pl.ds(k * 16, 16)]
            t16 = node_type(s16)
            gid = base + lidx
            valid = (gid >= ebase) & (gid < E)
            iv[pl.ds(k * 16, 16)] = jnp.where(
                valid, t16 * NPAD + d16, TRASH + (lidx & 127))
            return 0
        lax.fori_loop(0, CH // 16, vec, 0)
        scats.append(pltpu.async_copy(ones_v, shared.at[iv], sem_s, add=True))

    def oh_vec(k, _):
        v16 = w * NPT + k * 16 + lax.iota(jnp.int32, 16)
        idx_oh[pl.ds(k * 16, 16)] = (node_type(v16) + 8) * NPAD + v16
        return 0
    lax.fori_loop(0, NPT // 16, oh_vec, 0)
    scats.append(pltpu.async_copy(ones_v.at[pl.ds(0, NPT)], shared.at[idx_oh],
                                  sem_s, add=True))

    for sc_ in scats:
        sc_.wait()
    plsc.subcore_barrier()

    pltpu.sync_copy(shared.at[pl.ds(w * FPT, FPT)],
                    out_hbm.at[g, pl.ds(w * FPT, FPT)])


@functools.cache
def _sc_hist():
    return functools.partial(
        pl.kernel,
        out_type=jax.ShapeDtypeStruct((G, FLAT), jnp.float32),
        mesh=plsc.VectorSubcoreMesh(core_axis_name="c", subcore_axis_name="s",
                                    num_cores=NC, num_subcores=NS),
        compiler_params=pltpu.CompilerParams(needs_layout_passes=False),
        scratch_types=[
            pltpu.VMEM((G, N_IN), jnp.int32),
            pltpu.VMEM((2, CH), jnp.int32),
            pltpu.VMEM((2, CH), jnp.int32),
            pltpu.VMEM((CH,), jnp.float32),
            pltpu.VMEM((FPT,), jnp.float32),
            pltpu.VMEM((CH,), jnp.int32),
            pltpu.VMEM((CH,), jnp.int32),
            pltpu.VMEM((CH,), jnp.int32),
            pltpu.VMEM((CH,), jnp.int32),
            pltpu.VMEM((NPT,), jnp.int32),
            pltpu.VMEM_SHARED((FLAT,), jnp.float32),
            pltpu.SemaphoreType.DMA,
            pltpu.SemaphoreType.DMA,
            pltpu.SemaphoreType.DMA,
        ],
    )(_sc_body)


NB = 1024
NBLK = NPAD // NB
NV_LAST = NV - (NBLK - 1) * NB


def _tc_body(scat_ref, t8_ref, wl_ref, wr_ref, bl_ref, gnf_hbm, gef_hbm,
             buf, buf2, sem):
    b = pl.program_id(0)
    slot = lax.rem(b, 2)
    t8 = t8_ref[...]
    dn = (((1,), (1,)), ((), ()))
    twl = lax.dot_general(t8, wl_ref[...], dn, preferred_element_type=jnp.float32)
    twr = lax.dot_general(t8, wr_ref[...], dn, preferred_element_type=jnp.float32)
    rhs = jnp.concatenate(
        [jnp.concatenate([twl, twr], axis=0),
         jnp.concatenate([jnp.zeros((8, H), jnp.float32), t8], axis=0)], axis=1)
    rowid = lax.broadcasted_iota(jnp.int32, (ROWS, 1), 0)
    d0 = (((0,), (0,)), ((), ()))

    def dmas(slot_, blk, rows):
        out = []
        for g in range(G):
            src = buf.at[slot_, g, pl.ds(0, rows), :]
            out.append(pltpu.make_async_copy(
                src.at[:, pl.ds(0, H)],
                gef_hbm.at[pl.ds(blk * NB, rows), g, :], sem.at[slot_]))
            out.append(pltpu.make_async_copy(
                src.at[:, pl.ds(H, H)],
                gnf_hbm.at[pl.ds(blk * NB, rows), g, :], sem.at[slot_]))
        return out

    @pl.when(b >= 2)
    def _():
        for c in dmas(slot, b - 2, NB):
            c.wait()

    bias = jnp.concatenate([bl_ref[...], jnp.zeros((1, H), jnp.float32)], axis=1)
    for g in range(G):
        scat = scat_ref[g]
        cnt = jnp.sum(scat[0:8, :], axis=0, keepdims=True)
        recip = 1.0 / jnp.maximum(cnt, 1.0)
        scaled = scat * jnp.where(rowid < 8, recip, 1.0)
        res = lax.dot_general(
            scaled, rhs, d0, preferred_element_type=jnp.float32) + bias
        buf[slot, g] = res
        buf2[g] = res[NV_LAST - 1:NV_LAST, :]

    @pl.when(b < NBLK - 1)
    def _():
        for c in dmas(slot, b, NB):
            c.start()

    @pl.when(b == NBLK - 1)
    def _():
        vlast = b * NB + NV_LAST - 1
        tail = dmas(slot, b, NV_LAST - 1)
        for g in range(G):
            tail.append(pltpu.make_async_copy(
                buf2.at[g, :, pl.ds(0, H)],
                gef_hbm.at[pl.ds(vlast, 1), g, :], sem.at[slot]))
            tail.append(pltpu.make_async_copy(
                buf2.at[g, :, pl.ds(H, H)],
                gnf_hbm.at[pl.ds(vlast, 1), g, :], sem.at[slot]))
        for c in tail:
            c.start()
        for c in dmas(1 - slot, b - 1, NB):
            c.wait()
        for c in tail:
            c.wait()


def _tc_dense(scat, t8, wl, wr, bl):
    return pl.pallas_call(
        _tc_body,
        grid=(NBLK,),
        in_specs=[
            pl.BlockSpec((G, ROWS, NB), lambda b: (0, 0, b)),
            pl.BlockSpec((8, H), lambda b: (0, 0)),
            pl.BlockSpec((H, H), lambda b: (0, 0)),
            pl.BlockSpec((H, H), lambda b: (0, 0)),
            pl.BlockSpec((1, H), lambda b: (0, 0)),
        ],
        out_specs=[
            pl.BlockSpec(memory_space=pl.ANY),
            pl.BlockSpec(memory_space=pl.ANY),
        ],
        out_shape=[
            jax.ShapeDtypeStruct((NV, G, H), jnp.float32),
            jax.ShapeDtypeStruct((NV, G, H), jnp.float32),
        ],
        scratch_shapes=[
            pltpu.VMEM((2, G, NB, 2 * H), jnp.float32),
            pltpu.VMEM((G, 1, 2 * H), jnp.float32),
            pltpu.SemaphoreType.DMA((2,)),
        ],
    )(scat, t8, wl, wr, bl)


@jax.jit
def kernel(input_nodes, input_edges, node_emb, graph_token_emb, W_l, b_l, W_r):
    input_nodes = input_nodes.astype(jnp.int32)
    edges = input_edges.astype(jnp.int32)

    scat = _sc_hist()(input_nodes, edges).reshape(G, ROWS, NPAD)

    t8 = jnp.concatenate(
        [node_emb, graph_token_emb, jnp.zeros((3, H), jnp.float32)], axis=0)
    gnf, gef = _tc_dense(scat, t8, W_l, W_r, b_l.reshape(1, H))
    return jnp.swapaxes(gnf, 0, 1), jnp.swapaxes(gef, 0, 1)

# --- scband reference (transcript-rebuilt; emitter-appended) ---
"""Pipeline reference for scband-graphormer-graph-node-feature-69930657513572 (READ-ONLY COPY).

The authoritative reference and input builder live on the scoring server;
editing this copy changes nothing except your own understanding.
"""

import jax, jax.numpy as jnp
import numpy as np

N_GRAPH = 2
N_NODES = 10000
N_EDGES = 160000
HIDDEN = 128


def setup_inputs(seed: int = 0) -> dict:
    key = jax.random.key(seed)
    ks = jax.random.split(key, 8)
    input_nodes = jax.random.randint(ks[0], (N_GRAPH, N_NODES), 0, 4)
    input_edges = jax.random.randint(ks[1], (N_GRAPH, 2, N_EDGES), 0, N_NODES + 1)
    node_emb = jax.random.normal(ks[2], (4, HIDDEN), dtype=jnp.float32) * 0.02
    node_emb = node_emb.at[0].set(0.0)  # padding_idx=0
    graph_token_emb = jax.random.normal(ks[3], (1, HIDDEN), dtype=jnp.float32) * 0.02
    W_l = jax.random.normal(ks[4], (HIDDEN, HIDDEN), dtype=jnp.float32) * (1.0 / np.sqrt(HIDDEN))
    b_l = jnp.zeros((HIDDEN,), dtype=jnp.float32)
    W_r = jax.random.normal(ks[5], (HIDDEN, HIDDEN), dtype=jnp.float32) * (1.0 / np.sqrt(HIDDEN))
    return {
        "input_nodes": input_nodes,
        "input_edges": input_edges,
        "node_emb": node_emb,
        "graph_token_emb": graph_token_emb,
        "W_l": W_l,
        "b_l": b_l,
        "W_r": W_r,
    }


def _sage_conv(x, edge_index, W_l, b_l, W_r):
    # PyG SAGEConv(mean aggr): out = lin_l(mean_j x_j) + lin_r(x); lin_r has no bias
    src = edge_index[0]
    dst = edge_index[1]
    n = x.shape[0]
    msgs = jnp.take(x, src, axis=0)
    agg_sum = jax.ops.segment_sum(msgs, dst, num_segments=n)
    cnt = jax.ops.segment_sum(jnp.ones((src.shape[0],), dtype=x.dtype), dst, num_segments=n)
    agg = agg_sum / jnp.maximum(cnt, 1.0)[:, None]
    return agg @ W_l.T + b_l + x @ W_r.T


def reference(input_nodes, input_edges, node_emb, graph_token_emb, W_l, b_l, W_r):
    n_graph = input_nodes.shape[0]
    hidden = node_emb.shape[1]
    node_feature = jnp.take(node_emb, input_nodes, axis=0)  # [G, N, H]
    graph_token_feature = jnp.broadcast_to(graph_token_emb[None, :, :], (n_graph, 1, hidden))
    graph_node_feature = jnp.concatenate([graph_token_feature, node_feature], axis=1)  # [G, N+1, H]
    graph_edge_feature = jax.vmap(lambda x, ei: _sage_conv(x, ei, W_l, b_l, W_r))(
        graph_node_feature, input_edges
    )  # [G, N+1, H]
    return (graph_node_feature, graph_edge_feature)

if __name__ == "__main__":
    import jax
    _d = setup_inputs()
    print(jax.jit(kernel)(*tuple(_d.values())))

</pallas_src>

<mosaic_0001>
#map = affine_map<(d0, d1) -> (0, 0)>
#map1 = affine_map<(d0, d1) -> (0, 0, 0)>
module attributes {stable_mosaic.version = 14 : i64} {
  func.func @_sc_body(%arg0: i32, %arg1: i32, %arg2: memref<2x10000xi32, #tpu.memory_space<hbm>>, %arg3: memref<2x2x160000xi32, #tpu.memory_space<hbm>>, %arg4: memref<2x163840xf32, #tpu.memory_space<hbm>>, %arg5: memref<2x10000xi32, #tpu.memory_space<vmem>>, %arg6: memref<2x2560xi32, #tpu.memory_space<vmem>>, %arg7: memref<2x2560xi32, #tpu.memory_space<vmem>>, %arg8: memref<2560xf32, #tpu.memory_space<vmem>>, %arg9: memref<10240xf32, #tpu.memory_space<vmem>>, %arg10: memref<2560xi32, #tpu.memory_space<vmem>>, %arg11: memref<2560xi32, #tpu.memory_space<vmem>>, %arg12: memref<2560xi32, #tpu.memory_space<vmem>>, %arg13: memref<2560xi32, #tpu.memory_space<vmem>>, %arg14: memref<640xi32, #tpu.memory_space<vmem>>, %arg15: memref<163840xf32, #tpu.memory_space<vmem_shared>>, %arg16: memref<!tpu.dma_semaphore, #tpu.memory_space<semaphore_mem>>, %arg17: memref<!tpu.dma_semaphore, #tpu.memory_space<semaphore_mem>>, %arg18: memref<!tpu.dma_semaphore, #tpu.memory_space<semaphore_mem>>) attributes {dimension_semantics = [#tpu.dimension_semantics<core_parallel>, #tpu.dimension_semantics<subcore_parallel>], iteration_bounds = array<i64: 2, 16>, scalar_prefetch = 0 : i64, scratch_operands = 14 : i64, tpu.core_type = #tpu.core_type<sc_vector_subcore>, window_params = [{transform_indices = #map}, {transform_indices = #map1}, {transform_indices = #map}]} {
    %broadcast_in_dim3A = arith.constant 0 : i32
    %broadcast_in_dim3A_0 = vector.broadcast %broadcast_in_dim3A : i32 to vector<16xi32>
    %add3A = vector.broadcast %arg0 : i32 to vector<16xi32>
    %add3A_1 = arith.addi %broadcast_in_dim3A_0, %add3A : vector<16xi32>
    tpu.enqueue_dma source(%arg2 : memref<2x10000xi32, #tpu.memory_space<hbm>>) target(%arg5 : memref<2x10000xi32, #tpu.memory_space<vmem>>) target_semaphore(%arg16 : memref<!tpu.dma_semaphore, #tpu.memory_space<semaphore_mem>>)
    %mul3A = arith.constant 10240 : i32
    %mul3A_2 = arith.muli %arg1, %mul3A : i32
    %add3A_3 = arith.constant 0 : i32
    %add3A_4 = arith.addi %mul3A_2, %add3A_3 : i32
    %min3A = arith.constant 157440 : i32
    %min3A_5 = arith.minsi %add3A_4, %min3A : i32
    %dma_start3A = arith.constant 0 : i32
    %dma_start3A_6 = tpu.memref_slice %arg3[%arg0, %dma_start3A, %min3A_5] : memref<2x2x160000xi32, #tpu.memory_space<hbm>> -> memref<1x2x2560xi32, #tpu.memory_space<hbm>>
    %dma_start3A_7 = tpu.memref_squeeze %dma_start3A_6 : memref<1x2x2560xi32, #tpu.memory_space<hbm>> -> memref<2x2560xi32, #tpu.memory_space<hbm>>
    %dma_start3A_8 = arith.constant 0 : i32
    %dma_start3A_9 = tpu.memref_slice %arg3[%arg0, %dma_start3A_8, %min3A_5] : memref<2x2x160000xi32, #tpu.memory_space<hbm>> -> memref<1x2x2560xi32, #tpu.memory_space<hbm>>
    %dma_start3A_10 = tpu.memref_squeeze %dma_start3A_9 : memref<1x2x2560xi32, #tpu.memory_space<hbm>> -> memref<2x2560xi32, #tpu.memory_space<hbm>>
    tpu.enqueue_dma source(%dma_start3A_10 : memref<2x2560xi32, #tpu.memory_space<hbm>>) target(%arg6 : memref<2x2560xi32, #tpu.memory_space<vmem>>) target_semaphore(%arg17 : memref<!tpu.dma_semaphore, #tpu.memory_space<semaphore_mem>>)
    %scan3A = arith.constant 0 : i32
    %scan3A_11 = arith.constant 0 : i32
    %scan3A_12 = arith.constant 160 : i32
    %scan3A_13 = arith.addi %scan3A_11, %scan3A_12 : i32
    %scan3A_14 = arith.constant 1 : i32
    %scan3A_15 = scf.for %scan3A_149 = %scan3A_11 to %scan3A_13 step %scan3A_14 iter_args(%scan3A_150 = %scan3A) -> (i32)  : i32 {
      %broadcast_in_dim3A_151 = arith.constant 1.000000e+00 : f32
      %broadcast_in_dim3A_152 = vector.broadcast %broadcast_in_dim3A_151 : f32 to vector<16xf32>
      %mul3A_153 = arith.constant 16 : i32
      %mul3A_154 = arith.muli %scan3A_149, %mul3A_153 : i32
      %swap3A = arith.index_cast %mul3A_154 : i32 to index
      %swap3A_155 = tpu.vector_load %arg8[%swap3A] {strides = array<i32>} : memref<2560xf32, #tpu.memory_space<vmem>>, vector<16xf32>,
      tpu.vector_store %arg8[%swap3A], %broadcast_in_dim3A_152 {strides = array<i32>} : memref<2560xf32, #tpu.memory_space<vmem>>, vector<16xf32>,
      %scan3A_156 = arith.constant 0 : i32
      scf.yield %scan3A_156 : i32
    }
    %scan3A_16 = arith.constant 160 : i32
    %scan3A_17 = arith.constant 0 : i32
    %scan3A_18 = arith.constant 0 : i32
    %scan3A_19 = arith.constant 640 : i32
    %scan3A_20 = arith.addi %scan3A_18, %scan3A_19 : i32
    %scan3A_21 = arith.constant 1 : i32
    %scan3A_22 = scf.for %scan3A_149 = %scan3A_18 to %scan3A_20 step %scan3A_21 iter_args(%scan3A_150 = %scan3A_17) -> (i32)  : i32 {
      %broadcast_in_dim3A_151 = arith.constant 0.000000e+00 : f32
      %broadcast_in_dim3A_152 = vector.broadcast %broadcast_in_dim3A_151 : f32 to vector<16xf32>
      %mul3A_153 = arith.constant 16 : i32
      %mul3A_154 = arith.muli %scan3A_149, %mul3A_153 : i32
      %swap3A = arith.index_cast %mul3A_154 : i32 to index
      %swap3A_155 = tpu.vector_load %arg9[%swap3A] {strides = array<i32>} : memref<10240xf32, #tpu.memory_space<vmem>>, vector<16xf32>,
      tpu.vector_store %arg9[%swap3A], %broadcast_in_dim3A_152 {strides = array<i32>} : memref<10240xf32, #tpu.memory_space<vmem>>, vector<16xf32>,
      %scan3A_156 = arith.constant 0 : i32
      scf.yield %scan3A_156 : i32
    }
    %scan3A_23 = arith.constant 640 : i32
    %mul3A_24 = arith.constant 10240 : i32
    %mul3A_25 = arith.muli %arg1, %mul3A_24 : i32
    "tpu.region"() ({
      %run_scoped3A = tpu.sem_alloc : memref<!tpu.dma_semaphore, #tpu.memory_space<semaphore_mem>>
      %dma_start3A_149 = tpu.memref_slice %arg15[%mul3A_25] : memref<163840xf32, #tpu.memory_space<vmem_shared>> -> memref<10240xf32, #tpu.memory_space<vmem_shared>>
      %dma_start3A_150 = tpu.memref_slice %arg15[%mul3A_25] : memref<163840xf32, #tpu.memory_space<vmem_shared>> -> memref<10240xf32, #tpu.memory_space<vmem_shared>>
      tpu.enqueue_dma source(%arg9 : memref<10240xf32, #tpu.memory_space<vmem>>) target(%dma_start3A_150 : memref<10240xf32, #tpu.memory_space<vmem_shared>>) target_semaphore(%run_scoped3A : memref<!tpu.dma_semaphore, #tpu.memory_space<semaphore_mem>>)
      %dma_wait3A_151 = tpu.memref_slice %arg15[%mul3A_25] : memref<163840xf32, #tpu.memory_space<vmem_shared>> -> memref<10240xf32, #tpu.memory_space<vmem_shared>>
      %dma_wait3A_152 = tpu.memref_slice %arg15[%mul3A_25] : memref<163840xf32, #tpu.memory_space<vmem_shared>> -> memref<10240xf32, #tpu.memory_space<vmem_shared>>
      tpu.wait_dma2 semaphore(%run_scoped3A : memref<!tpu.dma_semaphore, #tpu.memory_space<semaphore_mem>>) src(%arg9 : memref<10240xf32, #tpu.memory_space<vmem>>) dst(%dma_wait3A_152 : memref<10240xf32, #tpu.memory_space<vmem_shared>>)
      tpu.yield
    }) : () -> ()
    tpu.wait_dma2 semaphore(%arg16 : memref<!tpu.dma_semaphore, #tpu.memory_space<semaphore_mem>>) src(%arg2 : memref<2x10000xi32, #tpu.memory_space<hbm>>) dst(%arg5 : memref<2x10000xi32, #tpu.memory_space<vmem>>)
    %barrier3A = arith.constant 0 : index
    tpu.barrier barrier_id(%barrier3A)
    %mul3A_26 = arith.constant 10240 : i32
    %mul3A_27 = arith.muli %arg1, %mul3A_26 : i32
    %add3A_28 = arith.constant 2560 : i32
    %add3A_29 = arith.addi %mul3A_27, %add3A_28 : i32
    %min3A_30 = arith.constant 157440 : i32
    %min3A_31 = arith.minsi %add3A_29, %min3A_30 : i32
    %dma_start3A_32 = arith.constant 0 : i32
    %dma_start3A_33 = tpu.memref_slice %arg3[%arg0, %dma_start3A_32, %min3A_31] : memref<2x2x160000xi32, #tpu.memory_space<hbm>> -> memref<1x2x2560xi32, #tpu.memory_space<hbm>>
    %dma_start3A_34 = tpu.memref_squeeze %dma_start3A_33 : memref<1x2x2560xi32, #tpu.memory_space<hbm>> -> memref<2x2560xi32, #tpu.memory_space<hbm>>
    %dma_start3A_35 = arith.constant 0 : i32
    %dma_start3A_36 = tpu.memref_slice %arg3[%arg0, %dma_start3A_35, %min3A_31] : memref<2x2x160000xi32, #tpu.memory_space<hbm>> -> memref<1x2x2560xi32, #tpu.memory_space<hbm>>
    %dma_start3A_37 = tpu.memref_squeeze %dma_start3A_36 : memref<1x2x2560xi32, #tpu.memory_space<hbm>> -> memref<2x2560xi32, #tpu.memory_space<hbm>>
    tpu.enqueue_dma source(%dma_start3A_37 : memref<2x2560xi32, #tpu.memory_space<hbm>>) target(%arg7 : memref<2x2560xi32, #tpu.memory_space<vmem>>) target_semaphore(%arg17 : memref<!tpu.dma_semaphore, #tpu.memory_space<semaphore_mem>>)
    %dma_wait3A = arith.constant 0 : i32
    %dma_wait3A_38 = tpu.memref_slice %arg3[%arg0, %dma_wait3A, %min3A_5] : memref<2x2x160000xi32, #tpu.memory_space<hbm>> -> memref<1x2x2560xi32, #tpu.memory_space<hbm>>
    %dma_wait3A_39 = tpu.memref_squeeze %dma_wait3A_38 : memref<1x2x2560xi32, #tpu.memory_space<hbm>> -> memref<2x2560xi32, #tpu.memory_space<hbm>>
    %dma_wait3A_40 = arith.constant 0 : i32
    %dma_wait3A_41 = tpu.memref_slice %arg3[%arg0, %dma_wait3A_40, %min3A_5] : memref<2x2x160000xi32, #tpu.memory_space<hbm>> -> memref<1x2x2560xi32, #tpu.memory_space<hbm>>
    %dma_wait3A_42 = tpu.memref_squeeze %dma_wait3A_41 : memref<1x2x2560xi32, #tpu.memory_space<hbm>> -> memref<2x2560xi32, #tpu.memory_space<hbm>>
    tpu.wait_dma2 semaphore(%arg17 : memref<!tpu.dma_semaphore, #tpu.memory_space<semaphore_mem>>) src(%dma_wait3A_42 : memref<2x2560xi32, #tpu.memory_space<hbm>>) dst(%arg6 : memref<2x2560xi32, #tpu.memory_space<vmem>>)
    %scan3A_43 = arith.constant 0 : i32
    %scan3A_44 = arith.constant 0 : i32
    %scan3A_45 = arith.constant 160 : i32
    %scan3A_46 = arith.addi %scan3A_44, %scan3A_45 : i32
    %scan3A_47 = arith.constant 1 : i32
    %scan3A_48 = scf.for %scan3A_149 = %scan3A_44 to %scan3A_46 step %scan3A_47 iter_args(%scan3A_150 = %scan3A_43) -> (i32)  : i32 {
      %mul3A_151 = arith.constant 16 : i32
      %mul3A_152 = arith.muli %scan3A_149, %mul3A_151 : i32
      %iota3A = tpu.iota {dimensions = array<i32: 0>} : vector<16xi32>
      %add3A_153 = vector.broadcast %mul3A_152 : i32 to vector<16xi32>
      %add3A_154 = arith.addi %add3A_153, %iota3A : vector<16xi32>
      %mul3A_155 = arith.constant 16 : i32
      %mul3A_156 = arith.muli %scan3A_149, %mul3A_155 : i32
      %get3A = arith.constant 0 : i32
      %get3A_157 = arith.index_cast %get3A : i32 to index
      %get3A_158 = arith.index_cast %mul3A_156 : i32 to index
      %get3A_159 = tpu.vector_load %arg6[%get3A_157, %get3A_158] {strides = array<i32>} : memref<2x2560xi32, #tpu.memory_space<vmem>>, vector<16xi32>,
      %mul3A_160 = arith.constant 16 : i32
      %mul3A_161 = arith.muli %scan3A_149, %mul3A_160 : i32
      %get3A_162 = arith.constant 1 : i32
      %get3A_163 = arith.index_cast %get3A_162 : i32 to index
      %get3A_164 = arith.index_cast %mul3A_161 : i32 to index
      %get3A_165 = tpu.vector_load %arg6[%get3A_163, %get3A_164] {strides = array<i32>} : memref<2x2560xi32, #tpu.memory_space<vmem>>, vector<16xi32>,
      %sub3A = arith.constant 1 : i32
      %sub3A_166 = vector.broadcast %sub3A : i32 to vector<16xi32>
      %sub3A_167 = arith.subi %get3A_159, %sub3A_166 : vector<16xi32>
      %jit3A = arith.constant 0 : i32
      %jit3A_168 = arith.constant 9999 : i32
      %max3A = vector.broadcast %jit3A : i32 to vector<16xi32>
      %max3A_169 = arith.maxsi %max3A, %sub3A_167 : vector<16xi32>
      %min3A_170 = vector.broadcast %jit3A_168 : i32 to vector<16xi32>
      %min3A_171 = arith.minsi %min3A_170, %max3A_169 : vector<16xi32>
      %gather3A = tpu.vector_load_idx %arg5[%add3A_1, %min3A_171] : memref<2x10000xi32, #tpu.memory_space<vmem>>[vector<16xi32>, vector<16xi32>], vector<16xi32>,
      %eq3A = arith.constant 0 : i32
      %eq3A_172 = vector.broadcast %eq3A : i32 to vector<16xi32>
      %eq3A_173 = arith.cmpi eq, %get3A_159, %eq3A_172 : vector<16xi32>
      %jit3A_174 = arith.constant 4 : i32
      %broadcast_in_dim3A_175 = vector.broadcast %jit3A_174 : i32 to vector<16xi32>
      %select_n3A = arith.select %eq3A_173, %broadcast_in_dim3A_175, %gather3A : vector<16xi1>, vector<16xi32>
      %add3A_176 = vector.broadcast %min3A_5 : i32 to vector<16xi32>
      %add3A_177 = arith.addi %add3A_176, %add3A_154 : vector<16xi32>
      %ge3A = vector.broadcast %add3A_4 : i32 to vector<16xi32>
      %ge3A_178 = arith.cmpi sge, %add3A_177, %ge3A : vector<16xi32>
      %lt3A = arith.constant 160000 : i32
      %lt3A_179 = vector.broadcast %lt3A : i32 to vector<16xi32>
      %lt3A_180 = arith.cmpi slt, %add3A_177, %lt3A_179 : vector<16xi32>
      %and3A = arith.andi %ge3A_178, %lt3A_180 : vector<16xi1>
      %mul3A_181 = arith.constant 10240 : i32
      %mul3A_182 = vector.broadcast %mul3A_181 : i32 to vector<16xi32>
      %mul3A_183 = arith.muli %select_n3A, %mul3A_182 : vector<16xi32>
      %add3A_184 = arith.addi %mul3A_183, %get3A_165 : vector<16xi32>
      %and3A_185 = arith.constant 127 : i32
      %and3A_186 = vector.broadcast %and3A_185 : i32 to vector<16xi32>
      %and3A_187 = arith.andi %add3A_154, %and3A_186 : vector<16xi32>
      %add3A_188 = arith.constant 163601 : i32
      %add3A_189 = vector.broadcast %add3A_188 : i32 to vector<16xi32>
      %add3A_190 = arith.addi %add3A_189, %and3A_187 : vector<16xi32>
      %select_n3A_191 = arith.select %and3A, %add3A_184, %add3A_190 : vector<16xi1>, vector<16xi32>
      %mul3A_192 = arith.constant 16 : i32
      %mul3A_193 = arith.muli %scan3A_149, %mul3A_192 : i32
      %swap3A = arith.index_cast %mul3A_193 : i32 to index
      %swap3A_194 = tpu.vector_load %arg10[%swap3A] {strides = array<i32>} : memref<2560xi32, #tpu.memory_space<vmem>>, vector<16xi32>,
      tpu.vector_store %arg10[%swap3A], %select_n3A_191 {strides = array<i32>} : memref<2560xi32, #tpu.memory_space<vmem>>, vector<16xi32>,
      %scan3A_195 = arith.constant 0 : i32
      scf.yield %scan3A_195 : i32
    }
    %scan3A_49 = arith.constant 160 : i32
    %dma_start3A_50 = arith.constant 0 : i32
    %dma_start3A_51 = tpu.memref_slice %arg15[%dma_start3A_50] : memref<163840xf32, #tpu.memory_space<vmem_shared>> -> memref<163840xf32, #tpu.memory_space<vmem_shared>>
    tpu.enqueue_indirect_dma source(%arg8 : memref<2560xf32, #tpu.memory_space<vmem>>) target(%dma_start3A_51 : memref<163840xf32, #tpu.memory_space<vmem_shared>>) offsets(%arg10 : memref<2560xi32, #tpu.memory_space<vmem>>) semaphore(%arg18 : memref<!tpu.dma_semaphore, #tpu.memory_space<semaphore_mem>>) {add = true}
    %mul3A_52 = arith.constant 10240 : i32
    %mul3A_53 = arith.muli %arg1, %mul3A_52 : i32
    %add3A_54 = arith.constant 5120 : i32
    %add3A_55 = arith.addi %mul3A_53, %add3A_54 : i32
    %min3A_56 = arith.constant 157440 : i32
    %min3A_57 = arith.minsi %add3A_55, %min3A_56 : i32
    %dma_start3A_58 = arith.constant 0 : i32
    %dma_start3A_59 = tpu.memref_slice %arg3[%arg0, %dma_start3A_58, %min3A_57] : memref<2x2x160000xi32, #tpu.memory_space<hbm>> -> memref<1x2x2560xi32, #tpu.memory_space<hbm>>
    %dma_start3A_60 = tpu.memref_squeeze %dma_start3A_59 : memref<1x2x2560xi32, #tpu.memory_space<hbm>> -> memref<2x2560xi32, #tpu.memory_space<hbm>>
    %dma_start3A_61 = arith.constant 0 : i32
    %dma_start3A_62 = tpu.memref_slice %arg3[%arg0, %dma_start3A_61, %min3A_57] : memref<2x2x160000xi32, #tpu.memory_space<hbm>> -> memref<1x2x2560xi32, #tpu.memory_space<hbm>>
    %dma_start3A_63 = tpu.memref_squeeze %dma_start3A_62 : memref<1x2x2560xi32, #tpu.memory_space<hbm>> -> memref<2x2560xi32, #tpu.memory_space<hbm>>
    tpu.enqueue_dma source(%dma_start3A_63 : memref<2x2560xi32, #tpu.memory_space<hbm>>) target(%arg6 : memref<2x2560xi32, #tpu.memory_space<vmem>>) target_semaphore(%arg17 : memref<!tpu.dma_semaphore, #tpu.memory_space<semaphore_mem>>)
    %dma_wait3A_64 = arith.constant 0 : i32
    %dma_wait3A_65 = tpu.memref_slice %arg3[%arg0, %dma_wait3A_64, %min3A_31] : memref<2x2x160000xi32, #tpu.memory_space<hbm>> -> memref<1x2x2560xi32, #tpu.memory_space<hbm>>
    %dma_wait3A_66 = tpu.memref_squeeze %dma_wait3A_65 : memref<1x2x2560xi32, #tpu.memory_space<hbm>> -> memref<2x2560xi32, #tpu.memory_space<hbm>>
    %dma_wait3A_67 = arith.constant 0 : i32
    %dma_wait3A_68 = tpu.memref_slice %arg3[%arg0, %dma_wait3A_67, %min3A_31] : memref<2x2x160000xi32, #tpu.memory_space<hbm>> -> memref<1x2x2560xi32, #tpu.memory_space<hbm>>
    %dma_wait3A_69 = tpu.memref_squeeze %dma_wait3A_68 : memref<1x2x2560xi32, #tpu.memory_space<hbm>> -> memref<2x2560xi32, #tpu.memory_space<hbm>>
    tpu.wait_dma2 semaphore(%arg17 : memref<!tpu.dma_semaphore, #tpu.memory_space<semaphore_mem>>) src(%dma_wait3A_69 : memref<2x2560xi32, #tpu.memory_space<hbm>>) dst(%arg7 : memref<2x2560xi32, #tpu.memory_space<vmem>>)
    %scan3A_70 = arith.constant 0 : i32
    %scan3A_71 = arith.constant 0 : i32
    %scan3A_72 = arith.constant 160 : i32
    %scan3A_73 = arith.addi %scan3A_71, %scan3A_72 : i32
    %scan3A_74 = arith.constant 1 : i32
    %scan3A_75 = scf.for %scan3A_149 = %scan3A_71 to %scan3A_73 step %scan3A_74 iter_args(%scan3A_150 = %scan3A_70) -> (i32)  : i32 {
      %mul3A_151 = arith.constant 16 : i32
      %mul3A_152 = arith.muli %scan3A_149, %mul3A_151 : i32
      %iota3A = tpu.iota {dimensions = array<i32: 0>} : vector<16xi32>
      %add3A_153 = vector.broadcast %mul3A_152 : i32 to vector<16xi32>
      %add3A_154 = arith.addi %add3A_153, %iota3A : vector<16xi32>
      %mul3A_155 = arith.constant 16 : i32
      %mul3A_156 = arith.muli %scan3A_149, %mul3A_155 : i32
      %get3A = arith.constant 0 : i32
      %get3A_157 = arith.index_cast %get3A : i32 to index
      %get3A_158 = arith.index_cast %mul3A_156 : i32 to index
      %get3A_159 = tpu.vector_load %arg7[%get3A_157, %get3A_158] {strides = array<i32>} : memref<2x2560xi32, #tpu.memory_space<vmem>>, vector<16xi32>,
      %mul3A_160 = arith.constant 16 : i32
      %mul3A_161 = arith.muli %scan3A_149, %mul3A_160 : i32
      %get3A_162 = arith.constant 1 : i32
      %get3A_163 = arith.index_cast %get3A_162 : i32 to index
      %get3A_164 = arith.index_cast %mul3A_161 : i32 to index
      %get3A_165 = tpu.vector_load %arg7[%get3A_163, %get3A_164] {strides = array<i32>} : memref<2x2560xi32, #tpu.memory_space<vmem>>, vector<16xi32>,
      %sub3A = arith.constant 1 : i32
      %sub3A_166 = vector.broadcast %sub3A : i32 to vector<16xi32>
      %sub3A_167 = arith.subi %get3A_159, %sub3A_166 : vector<16xi32>
      %jit3A = arith.constant 0 : i32
      %jit3A_168 = arith.constant 9999 : i32
      %max3A = vector.broadcast %jit3A : i32 to vector<16xi32>
      %max3A_169 = arith.maxsi %max3A, %sub3A_167 : vector<16xi32>
      %min3A_170 = vector.broadcast %jit3A_168 : i32 to vector<16xi32>
      %min3A_171 = arith.minsi %min3A_170, %max3A_169 : vector<16xi32>
      %gather3A = tpu.vector_load_idx %arg5[%add3A_1, %min3A_171] : memref<2x10000xi32, #tpu.memory_space<vmem>>[vector<16xi32>, vector<16xi32>], vector<16xi32>,
      %eq3A = arith.constant 0 : i32
      %eq3A_172 = vector.broadcast %eq3A : i32 to vector<16xi32>
      %eq3A_173 = arith.cmpi eq, %get3A_159, %eq3A_172 : vector<16xi32>
      %jit3A_174 = arith.constant 4 : i32
      %broadcast_in_dim3A_175 = vector.broadcast %jit3A_174 : i32 to vector<16xi32>
      %select_n3A = arith.select %eq3A_173, %broadcast_in_dim3A_175, %gather3A : vector<16xi1>, vector<16xi32>
      %add3A_176 = vector.broadcast %min3A_31 : i32 to vector<16xi32>
      %add3A_177 = arith.addi %add3A_176, %add3A_154 : vector<16xi32>
      %ge3A = vector.broadcast %add3A_29 : i32 to vector<16xi32>
      %ge3A_178 = arith.cmpi sge, %add3A_177, %ge3A : vector<16xi32>
      %lt3A = arith.constant 160000 : i32
      %lt3A_179 = vector.broadcast %lt3A : i32 to vector<16xi32>
      %lt3A_180 = arith.cmpi slt, %add3A_177, %lt3A_179 : vector<16xi32>
      %and3A = arith.andi %ge3A_178, %lt3A_180 : vector<16xi1>
      %mul3A_181 = arith.constant 10240 : i32
      %mul3A_182 = vector.broadcast %mul3A_181 : i32 to vector<16xi32>
      %mul3A_183 = arith.muli %select_n3A, %mul3A_182 : vector<16xi32>
      %add3A_184 = arith.addi %mul3A_183, %get3A_165 : vector<16xi32>
      %and3A_185 = arith.constant 127 : i32
      %and3A_186 = vector.broadcast %and3A_185 : i32 to vector<16xi32>
      %and3A_187 = arith.andi %add3A_154, %and3A_186 : vector<16xi32>
      %add3A_188 = arith.constant 163601 : i32
      %add3A_189 = vector.broadcast %add3A_188 : i32 to vector<16xi32>
      %add3A_190 = arith.addi %add3A_189, %and3A_187 : vector<16xi32>
      %select_n3A_191 = arith.select %and3A, %add3A_184, %add3A_190 : vector<16xi1>, vector<16xi32>
      %mul3A_192 = arith.constant 16 : i32
      %mul3A_193 = arith.muli %scan3A_149, %mul3A_192 : i32
      %swap3A = arith.index_cast %mul3A_193 : i32 to index
      %swap3A_194 = tpu.vector_load %arg11[%swap3A] {strides = array<i32>} : memref<2560xi32, #tpu.memory_space<vmem>>, vector<16xi32>,
      tpu.vector_store %arg11[%swap3A], %select_n3A_191 {strides = array<i32>} : memref<2560xi32, #tpu.memory_space<vmem>>, vector<16xi32>,
      %scan3A_195 = arith.constant 0 : i32
      scf.yield %scan3A_195 : i32
    }
    %scan3A_76 = arith.constant 160 : i32
    %dma_start3A_77 = arith.constant 0 : i32
    %dma_start3A_78 = tpu.memref_slice %arg15[%dma_start3A_77] : memref<163840xf32, #tpu.memory_space<vmem_shared>> -> memref<163840xf32, #tpu.memory_space<vmem_shared>>
    tpu.enqueue_indirect_dma source(%arg8 : memref<2560xf32, #tpu.memory_space<vmem>>) target(%dma_start3A_78 : memref<163840xf32, #tpu.memory_space<vmem_shared>>) offsets(%arg11 : memref<2560xi32, #tpu.memory_space<vmem>>) semaphore(%arg18 : memref<!tpu.dma_semaphore, #tpu.memory_space<semaphore_mem>>) {add = true}
    %mul3A_79 = arith.constant 10240 : i32
    %mul3A_80 = arith.muli %arg1, %mul3A_79 : i32
    %add3A_81 = arith.constant 7680 : i32
    %add3A_82 = arith.addi %mul3A_80, %add3A_81 : i32
    %min3A_83 = arith.constant 157440 : i32
    %min3A_84 = arith.minsi %add3A_82, %min3A_83 : i32
    %dma_start3A_85 = arith.constant 0 : i32
    %dma_start3A_86 = tpu.memref_slice %arg3[%arg0, %dma_start3A_85, %min3A_84] : memref<2x2x160000xi32, #tpu.memory_space<hbm>> -> memref<1x2x2560xi32, #tpu.memory_space<hbm>>
    %dma_start3A_87 = tpu.memref_squeeze %dma_start3A_86 : memref<1x2x2560xi32, #tpu.memory_space<hbm>> -> memref<2x2560xi32, #tpu.memory_space<hbm>>
    %dma_start3A_88 = arith.constant 0 : i32
    %dma_start3A_89 = tpu.memref_slice %arg3[%arg0, %dma_start3A_88, %min3A_84] : memref<2x2x160000xi32, #tpu.memory_space<hbm>> -> memref<1x2x2560xi32, #tpu.memory_space<hbm>>
    %dma_start3A_90 = tpu.memref_squeeze %dma_start3A_89 : memref<1x2x2560xi32, #tpu.memory_space<hbm>> -> memref<2x2560xi32, #tpu.memory_space<hbm>>
    tpu.enqueue_dma source(%dma_start3A_90 : memref<2x2560xi32, #tpu.memory_space<hbm>>) target(%arg7 : memref<2x2560xi32, #tpu.memory_space<vmem>>) target_semaphore(%arg17 : memref<!tpu.dma_semaphore, #tpu.memory_space<semaphore_mem>>)
    %dma_wait3A_91 = arith.constant 0 : i32
    %dma_wait3A_92 = tpu.memref_slice %arg3[%arg0, %dma_wait3A_91, %min3A_57] : memref<2x2x160000xi32, #tpu.memory_space<hbm>> -> memref<1x2x2560xi32, #tpu.memory_space<hbm>>
    %dma_wait3A_93 = tpu.memref_squeeze %dma_wait3A_92 : memref<1x2x2560xi32, #tpu.memory_space<hbm>> -> memref<2x2560xi32, #tpu.memory_space<hbm>>
    %dma_wait3A_94 = arith.constant 0 : i32
    %dma_wait3A_95 = tpu.memref_slice %arg3[%arg0, %dma_wait3A_94, %min3A_57] : memref<2x2x160000xi32, #tpu.memory_space<hbm>> -> memref<1x2x2560xi32, #tpu.memory_space<hbm>>
    %dma_wait3A_96 = tpu.memref_squeeze %dma_wait3A_95 : memref<1x2x2560xi32, #tpu.memory_space<hbm>> -> memref<2x2560xi32, #tpu.memory_space<hbm>>
    tpu.wait_dma2 semaphore(%arg17 : memref<!tpu.dma_semaphore, #tpu.memory_space<semaphore_mem>>) src(%dma_wait3A_96 : memref<2x2560xi32, #tpu.memory_space<hbm>>) dst(%arg6 : memref<2x2560xi32, #tpu.memory_space<vmem>>)
    %scan3A_97 = arith.constant 0 : i32
    %scan3A_98 = arith.constant 0 : i32
    %scan3A_99 = arith.constant 160 : i32
    %scan3A_100 = arith.addi %scan3A_98, %scan3A_99 : i32
    %scan3A_101 = arith.constant 1 : i32
    %scan3A_102 = scf.for %scan3A_149 = %scan3A_98 to %scan3A_100 step %scan3A_101 iter_args(%scan3A_150 = %scan3A_97) -> (i32)  : i32 {
      %mul3A_151 = arith.constant 16 : i32
      %mul3A_152 = arith.muli %scan3A_149, %mul3A_151 : i32
      %iota3A = tpu.iota {dimensions = array<i32: 0>} : vector<16xi32>
      %add3A_153 = vector.broadcast %mul3A_152 : i32 to vector<16xi32>
      %add3A_154 = arith.addi %add3A_153, %iota3A : vector<16xi32>
      %mul3A_155 = arith.constant 16 : i32
      %mul3A_156 = arith.muli %scan3A_149, %mul3A_155 : i32
      %get3A = arith.constant 0 : i32
      %get3A_157 = arith.index_cast %get3A : i32 to index
      %get3A_158 = arith.index_cast %mul3A_156 : i32 to index
      %get3A_159 = tpu.vector_load %arg6[%get3A_157, %get3A_158] {strides = array<i32>} : memref<2x2560xi32, #tpu.memory_space<vmem>>, vector<16xi32>,
      %mul3A_160 = arith.constant 16 : i32
      %mul3A_161 = arith.muli %scan3A_149, %mul3A_160 : i32
      %get3A_162 = arith.constant 1 : i32
      %get3A_163 = arith.index_cast %get3A_162 : i32 to index
      %get3A_164 = arith.index_cast %mul3A_161 : i32 to index
      %get3A_165 = tpu.vector_load %arg6[%get3A_163, %get3A_164] {strides = array<i32>} : memref<2x2560xi32, #tpu.memory_space<vmem>>, vector<16xi32>,
      %sub3A = arith.constant 1 : i32
      %sub3A_166 = vector.broadcast %sub3A : i32 to vector<16xi32>
      %sub3A_167 = arith.subi %get3A_159, %sub3A_166 : vector<16xi32>
      %jit3A = arith.constant 0 : i32
      %jit3A_168 = arith.constant 9999 : i32
      %max3A = vector.broadcast %jit3A : i32 to vector<16xi32>
      %max3A_169 = arith.maxsi %max3A, %sub3A_167 : vector<16xi32>
      %min3A_170 = vector.broadcast %jit3A_168 : i32 to vector<16xi32>
      %min3A_171 = arith.minsi %min3A_170, %max3A_169 : vector<16xi32>
      %gather3A = tpu.vector_load_idx %arg5[%add3A_1, %min3A_171] : memref<2x10000xi32, #tpu.memory_space<vmem>>[vector<16xi32>, vector<16xi32>], vector<16xi32>,
      %eq3A = arith.constant 0 : i32
      %eq3A_172 = vector.broadcast %eq3A : i32 to vector<16xi32>
      %eq3A_173 = arith.cmpi eq, %get3A_159, %eq3A_172 : vector<16xi32>
      %jit3A_174 = arith.constant 4 : i32
      %broadcast_in_dim3A_175 = vector.broadcast %jit3A_174 : i32 to vector<16xi32>
      %select_n3A = arith.select %eq3A_173, %broadcast_in_dim3A_175, %gather3A : vector<16xi1>, vector<16xi32>
      %add3A_176 = vector.broadcast %min3A_57 : i32 to vector<16xi32>
      %add3A_177 = arith.addi %add3A_176, %add3A_154 : vector<16xi32>
      %ge3A = vector.broadcast %add3A_55 : i32 to vector<16xi32>
      %ge3A_178 = arith.cmpi sge, %add3A_177, %ge3A : vector<16xi32>
      %lt3A = arith.constant 160000 : i32
      %lt3A_179 = vector.broadcast %lt3A : i32 to vector<16xi32>
      %lt3A_180 = arith.cmpi slt, %add3A_177, %lt3A_179 : vector<16xi32>
      %and3A = arith.andi %ge3A_178, %lt3A_180 : vector<16xi1>
      %mul3A_181 = arith.constant 10240 : i32
      %mul3A_182 = vector.broadcast %mul3A_181 : i32 to vector<16xi32>
      %mul3A_183 = arith.muli %select_n3A, %mul3A_182 : vector<16xi32>
      %add3A_184 = arith.addi %mul3A_183, %get3A_165 : vector<16xi32>
      %and3A_185 = arith.constant 127 : i32
      %and3A_186 = vector.broadcast %and3A_185 : i32 to vector<16xi32>
      %and3A_187 = arith.andi %add3A_154, %and3A_186 : vector<16xi32>
      %add3A_188 = arith.constant 163601 : i32
      %add3A_189 = vector.broadcast %add3A_188 : i32 to vector<16xi32>
      %add3A_190 = arith.addi %add3A_189, %and3A_187 : vector<16xi32>
      %select_n3A_191 = arith.select %and3A, %add3A_184, %add3A_190 : vector<16xi1>, vector<16xi32>
      %mul3A_192 = arith.constant 16 : i32
      %mul3A_193 = arith.muli %scan3A_149, %mul3A_192 : i32
      %swap3A = arith.index_cast %mul3A_193 : i32 to index
      %swap3A_194 = tpu.vector_load %arg12[%swap3A] {strides = array<i32>} : memref<2560xi32, #tpu.memory_space<vmem>>, vector<16xi32>,
      tpu.vector_store %arg12[%swap3A], %select_n3A_191 {strides = array<i32>} : memref<2560xi32, #tpu.memory_space<vmem>>, vector<16xi32>,
      %scan3A_195 = arith.constant 0 : i32
      scf.yield %scan3A_195 : i32
    }
    %scan3A_103 = arith.constant 160 : i32
    %dma_start3A_104 = arith.constant 0 : i32
    %dma_start3A_105 = tpu.memref_slice %arg15[%dma_start3A_104] : memref<163840xf32, #tpu.memory_space<vmem_shared>> -> memref<163840xf32, #tpu.memory_space<vmem_shared>>
    tpu.enqueue_indirect_dma source(%arg8 : memref<2560xf32, #tpu.memory_space<vmem>>) target(%dma_start3A_105 : memref<163840xf32, #tpu.memory_space<vmem_shared>>) offsets(%arg12 : memref<2560xi32, #tpu.memory_space<vmem>>) semaphore(%arg18 : memref<!tpu.dma_semaphore, #tpu.memory_space<semaphore_mem>>) {add = true}
    %dma_wait3A_106 = arith.constant 0 : i32
    %dma_wait3A_107 = tpu.memref_slice %arg3[%arg0, %dma_wait3A_106, %min3A_84] : memref<2x2x160000xi32, #tpu.memory_space<hbm>> -> memref<1x2x2560xi32, #tpu.memory_space<hbm>>
    %dma_wait3A_108 = tpu.memref_squeeze %dma_wait3A_107 : memref<1x2x2560xi32, #tpu.memory_space<hbm>> -> memref<2x2560xi32, #tpu.memory_space<hbm>>
    %dma_wait3A_109 = arith.constant 0 : i32
    %dma_wait3A_110 = tpu.memref_slice %arg3[%arg0, %dma_wait3A_109, %min3A_84] : memref<2x2x160000xi32, #tpu.memory_space<hbm>> -> memref<1x2x2560xi32, #tpu.memory_space<hbm>>
    %dma_wait3A_111 = tpu.memref_squeeze %dma_wait3A_110 : memref<1x2x2560xi32, #tpu.memory_space<hbm>> -> memref<2x2560xi32, #tpu.memory_space<hbm>>
    tpu.wait_dma2 semaphore(%arg17 : memref<!tpu.dma_semaphore, #tpu.memory_space<semaphore_mem>>) src(%dma_wait3A_111 : memref<2x2560xi32, #tpu.memory_space<hbm>>) dst(%arg7 : memref<2x2560xi32, #tpu.memory_space<vmem>>)
    %scan3A_112 = arith.constant 0 : i32
    %scan3A_113 = arith.constant 0 : i32
    %scan3A_114 = arith.constant 160 : i32
    %scan3A_115 = arith.addi %scan3A_113, %scan3A_114 : i32
    %scan3A_116 = arith.constant 1 : i32
    %scan3A_117 = scf.for %scan3A_149 = %scan3A_113 to %scan3A_115 step %scan3A_116 iter_args(%scan3A_150 = %scan3A_112) -> (i32)  : i32 {
      %mul3A_151 = arith.constant 16 : i32
      %mul3A_152 = arith.muli %scan3A_149, %mul3A_151 : i32
      %iota3A = tpu.iota {dimensions = array<i32: 0>} : vector<16xi32>
      %add3A_153 = vector.broadcast %mul3A_152 : i32 to vector<16xi32>
      %add3A_154 = arith.addi %add3A_153, %iota3A : vector<16xi32>
      %mul3A_155 = arith.constant 16 : i32
      %mul3A_156 = arith.muli %scan3A_149, %mul3A_155 : i32
      %get3A = arith.constant 0 : i32
      %get3A_157 = arith.index_cast %get3A : i32 to index
      %get3A_158 = arith.index_cast %mul3A_156 : i32 to index
      %get3A_159 = tpu.vector_load %arg7[%get3A_157, %get3A_158] {strides = array<i32>} : memref<2x2560xi32, #tpu.memory_space<vmem>>, vector<16xi32>,
      %mul3A_160 = arith.constant 16 : i32
      %mul3A_161 = arith.muli %scan3A_149, %mul3A_160 : i32
      %get3A_162 = arith.constant 1 : i32
      %get3A_163 = arith.index_cast %get3A_162 : i32 to index
      %get3A_164 = arith.index_cast %mul3A_161 : i32 to index
      %get3A_165 = tpu.vector_load %arg7[%get3A_163, %get3A_164] {strides = array<i32>} : memref<2x2560xi32, #tpu.memory_space<vmem>>, vector<16xi32>,
      %sub3A = arith.constant 1 : i32
      %sub3A_166 = vector.broadcast %sub3A : i32 to vector<16xi32>
      %sub3A_167 = arith.subi %get3A_159, %sub3A_166 : vector<16xi32>
      %jit3A = arith.constant 0 : i32
      %jit3A_168 = arith.constant 9999 : i32
      %max3A = vector.broadcast %jit3A : i32 to vector<16xi32>
      %max3A_169 = arith.maxsi %max3A, %sub3A_167 : vector<16xi32>
      %min3A_170 = vector.broadcast %jit3A_168 : i32 to vector<16xi32>
      %min3A_171 = arith.minsi %min3A_170, %max3A_169 : vector<16xi32>
      %gather3A = tpu.vector_load_idx %arg5[%add3A_1, %min3A_171] : memref<2x10000xi32, #tpu.memory_space<vmem>>[vector<16xi32>, vector<16xi32>], vector<16xi32>,
      %eq3A = arith.constant 0 : i32
      %eq3A_172 = vector.broadcast %eq3A : i32 to vector<16xi32>
      %eq3A_173 = arith.cmpi eq, %get3A_159, %eq3A_172 : vector<16xi32>
      %jit3A_174 = arith.constant 4 : i32
      %broadcast_in_dim3A_175 = vector.broadcast %jit3A_174 : i32 to vector<16xi32>
      %select_n3A = arith.select %eq3A_173, %broadcast_in_dim3A_175, %gather3A : vector<16xi1>, vector<16xi32>
      %add3A_176 = vector.broadcast %min3A_84 : i32 to vector<16xi32>
      %add3A_177 = arith.addi %add3A_176, %add3A_154 : vector<16xi32>
      %ge3A = vector.broadcast %add3A_82 : i32 to vector<16xi32>
      %ge3A_178 = arith.cmpi sge, %add3A_177, %ge3A : vector<16xi32>
      %lt3A = arith.constant 160000 : i32
      %lt3A_179 = vector.broadcast %lt3A : i32 to vector<16xi32>
      %lt3A_180 = arith.cmpi slt, %add3A_177, %lt3A_179 : vector<16xi32>
      %and3A = arith.andi %ge3A_178, %lt3A_180 : vector<16xi1>
      %mul3A_181 = arith.constant 10240 : i32
      %mul3A_182 = vector.broadcast %mul3A_181 : i32 to vector<16xi32>
      %mul3A_183 = arith.muli %select_n3A, %mul3A_182 : vector<16xi32>
      %add3A_184 = arith.addi %mul3A_183, %get3A_165 : vector<16xi32>
      %and3A_185 = arith.constant 127 : i32
      %and3A_186 = vector.broadcast %and3A_185 : i32 to vector<16xi32>
      %and3A_187 = arith.andi %add3A_154, %and3A_186 : vector<16xi32>
      %add3A_188 = arith.constant 163601 : i32
      %add3A_189 = vector.broadcast %add3A_188 : i32 to vector<16xi32>
      %add3A_190 = arith.addi %add3A_189, %and3A_187 : vector<16xi32>
      %select_n3A_191 = arith.select %and3A, %add3A_184, %add3A_190 : vector<16xi1>, vector<16xi32>
      %mul3A_192 = arith.constant 16 : i32
      %mul3A_193 = arith.muli %scan3A_149, %mul3A_192 : i32
      %swap3A = arith.index_cast %mul3A_193 : i32 to index
      %swap3A_194 = tpu.vector_load %arg13[%swap3A] {strides = array<i32>} : memref<2560xi32, #tpu.memory_space<vmem>>, vector<16xi32>,
      tpu.vector_store %arg13[%swap3A], %select_n3A_191 {strides = array<i32>} : memref<2560xi32, #tpu.memory_space<vmem>>, vector<16xi32>,
      %scan3A_195 = arith.constant 0 : i32
      scf.yield %scan3A_195 : i32
    }
    %scan3A_118 = arith.constant 160 : i32
    %dma_start3A_119 = arith.constant 0 : i32
    %dma_start3A_120 = tpu.memref_slice %arg15[%dma_start3A_119] : memref<163840xf32, #tpu.memory_space<vmem_shared>> -> memref<163840xf32, #tpu.memory_space<vmem_shared>>
    tpu.enqueue_indirect_dma source(%arg8 : memref<2560xf32, #tpu.memory_space<vmem>>) target(%dma_start3A_120 : memref<163840xf32, #tpu.memory_space<vmem_shared>>) offsets(%arg13 : memref<2560xi32, #tpu.memory_space<vmem>>) semaphore(%arg18 : memref<!tpu.dma_semaphore, #tpu.memory_space<semaphore_mem>>) {add = true}
    %scan3A_121 = arith.constant 0 : i32
    %scan3A_122 = arith.constant 0 : i32
    %scan3A_123 = arith.constant 40 : i32
    %scan3A_124 = arith.addi %scan3A_122, %scan3A_123 : i32
    %scan3A_125 = arith.constant 1 : i32
    %scan3A_126 = scf.for %scan3A_149 = %scan3A_122 to %scan3A_124 step %scan3A_125 iter_args(%scan3A_150 = %scan3A_121) -> (i32)  : i32 {
      %mul3A_151 = arith.constant 640 : i32
      %mul3A_152 = arith.muli %arg1, %mul3A_151 : i32
      %mul3A_153 = arith.constant 16 : i32
      %mul3A_154 = arith.muli %scan3A_149, %mul3A_153 : i32
      %add3A_155 = arith.addi %mul3A_152, %mul3A_154 : i32
      %iota3A = tpu.iota {dimensions = array<i32: 0>} : vector<16xi32>
      %add3A_156 = vector.broadcast %add3A_155 : i32 to vector<16xi32>
      %add3A_157 = arith.addi %add3A_156, %iota3A : vector<16xi32>
      %sub3A = arith.constant 1 : i32
      %sub3A_158 = vector.broadcast %sub3A : i32 to vector<16xi32>
      %sub3A_159 = arith.subi %add3A_157, %sub3A_158 : vector<16xi32>
      %jit3A = arith.constant 0 : i32
      %jit3A_160 = arith.constant 9999 : i32
      %max3A = vector.broadcast %jit3A : i32 to vector<16xi32>
      %max3A_161 = arith.maxsi %max3A, %sub3A_159 : vector<16xi32>
      %min3A_162 = vector.broadcast %jit3A_160 : i32 to vector<16xi32>
      %min3A_163 = arith.minsi %min3A_162, %max3A_161 : vector<16xi32>
      %gather3A = tpu.vector_load_idx %arg5[%add3A_1, %min3A_163] : memref<2x10000xi32, #tpu.memory_space<vmem>>[vector<16xi32>, vector<16xi32>], vector<16xi32>,
      %eq3A = arith.constant 0 : i32
      %eq3A_164 = vector.broadcast %eq3A : i32 to vector<16xi32>
      %eq3A_165 = arith.cmpi eq, %add3A_157, %eq3A_164 : vector<16xi32>
      %jit3A_166 = arith.constant 4 : i32
      %broadcast_in_dim3A_167 = vector.broadcast %jit3A_166 : i32 to vector<16xi32>
      %select_n3A = arith.select %eq3A_165, %broadcast_in_dim3A_167, %gather3A : vector<16xi1>, vector<16xi32>
      %add3A_168 = arith.constant 8 : i32
      %add3A_169 = vector.broadcast %add3A_168 : i32 to vector<16xi32>
      %add3A_170 = arith.addi %select_n3A, %add3A_169 : vector<16xi32>
      %mul3A_171 = arith.constant 10240 : i32
      %mul3A_172 = vector.broadcast %mul3A_171 : i32 to vector<16xi32>
      %mul3A_173 = arith.muli %add3A_170, %mul3A_172 : vector<16xi32>
      %add3A_174 = arith.addi %mul3A_173, %add3A_157 : vector<16xi32>
      %mul3A_175 = arith.constant 16 : i32
      %mul3A_176 = arith.muli %scan3A_149, %mul3A_175 : i32
      %swap3A = arith.index_cast %mul3A_176 : i32 to index
      %swap3A_177 = tpu.vector_load %arg14[%swap3A] {strides = array<i32>} : memref<640xi32, #tpu.memory_space<vmem>>, vector<16xi32>,
      tpu.vector_store %arg14[%swap3A], %add3A_174 {strides = array<i32>} : memref<640xi32, #tpu.memory_space<vmem>>, vector<16xi32>,
      %scan3A_178 = arith.constant 0 : i32
      scf.yield %scan3A_178 : i32
    }
    %scan3A_127 = arith.constant 40 : i32
    %dma_start3A_128 = arith.constant 0 : i32
    %dma_start3A_129 = tpu.memref_slice %arg8[%dma_start3A_128] : memref<2560xf32, #tpu.memory_space<vmem>> -> memref<640xf32, #tpu.memory_space<vmem>>
    %dma_start3A_130 = arith.constant 0 : i32
    %dma_start3A_131 = tpu.memref_slice %arg15[%dma_start3A_130] : memref<163840xf32, #tpu.memory_space<vmem_shared>> -> memref<163840xf32, #tpu.memory_space<vmem_shared>>
    tpu.enqueue_indirect_dma source(%dma_start3A_129 : memref<640xf32, #tpu.memory_space<vmem>>) target(%dma_start3A_131 : memref<163840xf32, #tpu.memory_space<vmem_shared>>) offsets(%arg14 : memref<640xi32, #tpu.memory_space<vmem>>) semaphore(%arg18 : memref<!tpu.dma_semaphore, #tpu.memory_space<semaphore_mem>>) {add = true}
    %dma_wait3A_132 = arith.constant 0 : i32
    %dma_wait3A_133 = tpu.memref_slice %arg15[%dma_wait3A_132] : memref<163840xf32, #tpu.memory_space<vmem_shared>> -> memref<163840xf32, #tpu.memory_space<vmem_shared>>
    tpu.wait_indirect_dma semaphore(%arg18 : memref<!tpu.dma_semaphore, #tpu.memory_space<semaphore_mem>>) src(%arg8 : memref<2560xf32, #tpu.memory_space<vmem>>) dst(%dma_wait3A_133 : memref<163840xf32, #tpu.memory_space<vmem_shared>>)
    %dma_wait3A_134 = arith.constant 0 : i32
    %dma_wait3A_135 = tpu.memref_slice %arg15[%dma_wait3A_134] : memref<163840xf32, #tpu.memory_space<vmem_shared>> -> memref<163840xf32, #tpu.memory_space<vmem_shared>>
    tpu.wait_indirect_dma semaphore(%arg18 : memref<!tpu.dma_semaphore, #tpu.memory_space<semaphore_mem>>) src(%arg8 : memref<2560xf32, #tpu.memory_space<vmem>>) dst(%dma_wait3A_135 : memref<163840xf32, #tpu.memory_space<vmem_shared>>)
    %dma_wait3A_136 = arith.constant 0 : i32
    %dma_wait3A_137 = tpu.memref_slice %arg15[%dma_wait3A_136] : memref<163840xf32, #tpu.memory_space<vmem_shared>> -> memref<163840xf32, #tpu.memory_space<vmem_shared>>
    tpu.wait_indirect_dma semaphore(%arg18 : memref<!tpu.dma_semaphore, #tpu.memory_space<semaphore_mem>>) src(%arg8 : memref<2560xf32, #tpu.memory_space<vmem>>) dst(%dma_wait3A_137 : memref<163840xf32, #tpu.memory_space<vmem_shared>>)
    %dma_wait3A_138 = arith.constant 0 : i32
    %dma_wait3A_139 = tpu.memref_slice %arg15[%dma_wait3A_138] : memref<163840xf32, #tpu.memory_space<vmem_shared>> -> memref<163840xf32, #tpu.memory_space<vmem_shared>>
    tpu.wait_indirect_dma semaphore(%arg18 : memref<!tpu.dma_semaphore, #tpu.memory_space<semaphore_mem>>) src(%arg8 : memref<2560xf32, #tpu.memory_space<vmem>>) dst(%dma_wait3A_139 : memref<163840xf32, #tpu.memory_space<vmem_shared>>)
    %dma_wait3A_140 = arith.constant 0 : i32
    %dma_wait3A_141 = tpu.memref_slice %arg8[%dma_wait3A_140] : memref<2560xf32, #tpu.memory_space<vmem>> -> memref<640xf32, #tpu.memory_space<vmem>>
    %dma_wait3A_142 = arith.constant 0 : i32
    %dma_wait3A_143 = tpu.memref_slice %arg15[%dma_wait3A_142] : memref<163840xf32, #tpu.memory_space<vmem_shared>> -> memref<163840xf32, #tpu.memory_space<vmem_shared>>
    tpu.wait_indirect_dma semaphore(%arg18 : memref<!tpu.dma_semaphore, #tpu.memory_space<semaphore_mem>>) src(%dma_wait3A_141 : memref<640xf32, #tpu.memory_space<vmem>>) dst(%dma_wait3A_143 : memref<163840xf32, #tpu.memory_space<vmem_shared>>)
    %barrier3A_144 = arith.constant 0 : index
    tpu.barrier barrier_id(%barrier3A_144)
    %mul3A_145 = arith.constant 10240 : i32
    %mul3A_146 = arith.muli %arg1, %mul3A_145 : i32
    %mul3A_147 = arith.constant 10240 : i32
    %mul3A_148 = arith.muli %arg1, %mul3A_147 : i32
    "tpu.region"() ({
      %run_scoped3A = tpu.sem_alloc : memref<!tpu.dma_semaphore, #tpu.memory_space<semaphore_mem>>
      %dma_start3A_149 = tpu.memref_slice %arg4[%arg0, %mul3A_148] : memref<2x163840xf32, #tpu.memory_space<hbm>> -> memref<1x10240xf32, #tpu.memory_space<hbm>>
      %dma_start3A_150 = tpu.memref_squeeze %dma_start3A_149 : memref<1x10240xf32, #tpu.memory_space<hbm>> -> memref<10240xf32, #tpu.memory_space<hbm>>
      %dma_start3A_151 = tpu.memref_slice %arg15[%mul3A_146] : memref<163840xf32, #tpu.memory_space<vmem_shared>> -> memref<10240xf32, #tpu.memory_space<vmem_shared>>
      tpu.enqueue_dma source(%dma_start3A_151 : memref<10240xf32, #tpu.memory_space<vmem_shared>>) target(%dma_start3A_150 : memref<10240xf32, #tpu.memory_space<hbm>>) target_semaphore(%run_scoped3A : memref<!tpu.dma_semaphore, #tpu.memory_space<semaphore_mem>>)
      %dma_wait3A_152 = tpu.memref_slice %arg4[%arg0, %mul3A_148] : memref<2x163840xf32, #tpu.memory_space<hbm>> -> memref<1x10240xf32, #tpu.memory_space<hbm>>
      %dma_wait3A_153 = tpu.memref_squeeze %dma_wait3A_152 : memref<1x10240xf32, #tpu.memory_space<hbm>> -> memref<10240xf32, #tpu.memory_space<hbm>>
      %dma_wait3A_154 = tpu.memref_slice %arg15[%mul3A_146] : memref<163840xf32, #tpu.memory_space<vmem_shared>> -> memref<10240xf32, #tpu.memory_space<vmem_shared>>
      tpu.wait_dma2 semaphore(%run_scoped3A : memref<!tpu.dma_semaphore, #tpu.memory_space<semaphore_mem>>) src(%dma_wait3A_154 : memref<10240xf32, #tpu.memory_space<vmem_shared>>) dst(%dma_wait3A_153 : memref<10240xf32, #tpu.memory_space<hbm>>)
      tpu.yield
    }) : () -> ()
    return
  }
}

module attributes {stable_mosaic.version = 14 : i64} {
  func.func @_tc_body(%arg0: i32, %arg1: memref<2x16x1024xf32, #tpu.memory_space<vmem>>, %arg2: memref<8x128xf32, #tpu.memory_space<vmem>>, %arg3: memref<128x128xf32, #tpu.memory_space<vmem>>, %arg4: memref<128x128xf32, #tpu.memory_space<vmem>>, %arg5: memref<1x128xf32, #tpu.memory_space<vmem>>, %arg6: memref<10001x2x128xf32, #tpu.memory_space<any>>, %arg7: memref<10001x2x128xf32, #tpu.memory_space<any>>, %arg8: memref<2x2x1024x256xf32, #tpu.memory_space<vmem>>, %arg9: memref<2x1x256xf32, #tpu.memory_space<vmem>>, %arg10: memref<2x!tpu.dma_semaphore, #tpu.memory_space<semaphore_mem>>) attributes {dimension_semantics = [#tpu.dimension_semantics<arbitrary>], iteration_bounds = array<i64: 10>, scalar_prefetch = 0 : i64, scratch_operands = 3 : i64, tpu.core_type = #tpu.core_type<tc>, window_params = [{transform_indices = @transform_0, window_bounds = array<i64: 2, 16, 1024>}, {pipeline_mode = #tpu.pipeline_mode<synchronous>, transform_indices = @transform_1, window_bounds = array<i64: 8, 128>}, {pipeline_mode = #tpu.pipeline_mode<synchronous>, transform_indices = @transform_2, window_bounds = array<i64: 128, 128>}, {pipeline_mode = #tpu.pipeline_mode<synchronous>, transform_indices = @transform_3, window_bounds = array<i64: 128, 128>}, {pipeline_mode = #tpu.pipeline_mode<synchronous>, transform_indices = @transform_4, window_bounds = array<i64: 1, 128>}, {}, {}]} {
    %rem3A = arith.constant 2 : i32
    %rem3A_0 = arith.remsi %arg0, %rem3A : i32
    %get3A = arith.constant 0 : index
    %get3A_1 = arith.constant 0 : index
    %get3A_2 = vector.load %arg2[%get3A, %get3A_1] : memref<8x128xf32, #tpu.memory_space<vmem>>, vector<8x128xf32>
    %get3A_3 = arith.constant 0 : index
    %get3A_4 = arith.constant 0 : index
    %get3A_5 = vector.load %arg3[%get3A_3, %get3A_4] : memref<128x128xf32, #tpu.memory_space<vmem>>, vector<128x128xf32>
    %dot_general3A = arith.constant dense<0.000000e+00> : vector<8x128xf32>
    %dot_general3A_6 = tpu.matmul %get3A_2, %get3A_5, %dot_general3A {dimension_numbers = #tpu.dot_dimension_numbers<[1], [1], [0], [0], [0, 0, 1, 0], [], []>, transpose_lhs_hint = false} : vector<8x128xf32>, vector<128x128xf32>, vector<8x128xf32> -> vector<8x128xf32>
    %get3A_7 = arith.constant 0 : index
    %get3A_8 = arith.constant 0 : index
    %get3A_9 = vector.load %arg4[%get3A_7, %get3A_8] : memref<128x128xf32, #tpu.memory_space<vmem>>, vector<128x128xf32>
    %dot_general3A_10 = arith.constant dense<0.000000e+00> : vector<8x128xf32>
    %dot_general3A_11 = tpu.matmul %get3A_2, %get3A_9, %dot_general3A_10 {dimension_numbers = #tpu.dot_dimension_numbers<[1], [1], [0], [0], [0, 0, 1, 0], [], []>, transpose_lhs_hint = false} : vector<8x128xf32>, vector<128x128xf32>, vector<8x128xf32> -> vector<8x128xf32>
    %concatenate3A = tpu.concatenate %dot_general3A_6, %dot_general3A_11 in 0 : vector<8x128xf32>, vector<8x128xf32> -> vector<16x128xf32>
    %broadcast_in_dim3A = arith.constant 0.000000e+00 : f32
    %broadcast_in_dim3A_12 = vector.broadcast %broadcast_in_dim3A : f32 to vector<8x128xf32>
    %concatenate3A_13 = tpu.concatenate %broadcast_in_dim3A_12, %get3A_2 in 0 : vector<8x128xf32>, vector<8x128xf32> -> vector<16x128xf32>
    %concatenate3A_14 = tpu.concatenate %concatenate3A, %concatenate3A_13 in 1 : vector<16x128xf32>, vector<16x128xf32> -> vector<16x256xf32>
    %iota3A = tpu.iota {dimensions = array<i32: 0>} : vector<16x1xi32>
    %ge3A = arith.constant 2 : i32
    %ge3A_15 = arith.cmpi sge, %arg0, %ge3A : i32
    %convert_element_type3A = arith.extui %ge3A_15 : i1 to i32
    %cond3A = arith.constant 0 : i32
    %cond3A_16 = arith.cmpi ne, %convert_element_type3A, %cond3A : i32
    scf.if %cond3A_16 {
      %sub3A = arith.constant 2 : i32
      %sub3A_110 = arith.subi %arg0, %sub3A : i32
      %mul3A_111 = arith.constant 1024 : i32
      %mul3A_112 = arith.muli %sub3A_110, %mul3A_111 : i32
      %mul3A_113 = arith.constant 1024 : i32
      %mul3A_114 = arith.muli %sub3A_110, %mul3A_113 : i32
      %mul3A_115 = arith.constant 1024 : i32
      %mul3A_116 = arith.muli %sub3A_110, %mul3A_115 : i32
      %mul3A_117 = arith.constant 1024 : i32
      %mul3A_118 = arith.muli %sub3A_110, %mul3A_117 : i32
      %dma_wait3A = arith.constant 0 : i32
      %dma_wait3A_119 = arith.constant 0 : i32
      %dma_wait3A_120 = tpu.memref_slice %arg10[%rem3A_0] : memref<2x!tpu.dma_semaphore, #tpu.memory_space<semaphore_mem>> -> memref<1x!tpu.dma_semaphore, #tpu.memory_space<semaphore_mem>>
      %dma_wait3A_121 = tpu.memref_squeeze %dma_wait3A_120 : memref<1x!tpu.dma_semaphore, #tpu.memory_space<semaphore_mem>> -> memref<!tpu.dma_semaphore, #tpu.memory_space<semaphore_mem>>
      %dma_wait3A_122 = arith.constant 0 : i32
      %dma_wait3A_123 = tpu.memref_slice %arg7[%mul3A_112, %dma_wait3A_119, %dma_wait3A_122] : memref<10001x2x128xf32, #tpu.memory_space<any>> -> memref<1024x1x128xf32, #tpu.memory_space<any>>
      %dma_wait3A_124 = tpu.memref_squeeze %dma_wait3A_123 : memref<1024x1x128xf32, #tpu.memory_space<any>> -> memref<1024x128xf32, #tpu.memory_space<any>>
      %dma_wait3A_125 = arith.constant 0 : i32
      %dma_wait3A_126 = arith.constant 0 : i32
      %dma_wait3A_127 = tpu.memref_slice %arg8[%rem3A_0, %dma_wait3A, %dma_wait3A_125, %dma_wait3A_126] : memref<2x2x1024x256xf32, #tpu.memory_space<vmem>> -> memref<1x1x1024x256xf32, #tpu.memory_space<vmem>>
      %dma_wait3A_128 = tpu.memref_squeeze %dma_wait3A_127 : memref<1x1x1024x256xf32, #tpu.memory_space<vmem>> -> memref<1024x256xf32, #tpu.memory_space<vmem>>
      %dma_wait3A_129 = arith.constant 0 : i32
      %dma_wait3A_130 = arith.constant 0 : i32
      %dma_wait3A_131 = tpu.memref_slice %dma_wait3A_128[%dma_wait3A_129, %dma_wait3A_130] : memref<1024x256xf32, #tpu.memory_space<vmem>> -> memref<1024x128xf32, #tpu.memory_space<vmem>>
      tpu.wait_dma2 semaphore(%dma_wait3A_121 : memref<!tpu.dma_semaphore, #tpu.memory_space<semaphore_mem>>) src(%dma_wait3A_131 : memref<1024x128xf32, #tpu.memory_space<vmem>>) dst(%dma_wait3A_124 : memref<1024x128xf32, #tpu.memory_space<any>>)
      %dma_wait3A_132 = arith.constant 0 : i32
      %dma_wait3A_133 = arith.constant 0 : i32
      %dma_wait3A_134 = tpu.memref_slice %arg10[%rem3A_0] : memref<2x!tpu.dma_semaphore, #tpu.memory_space<semaphore_mem>> -> memref<1x!tpu.dma_semaphore, #tpu.memory_space<semaphore_mem>>
      %dma_wait3A_135 = tpu.memref_squeeze %dma_wait3A_134 : memref<1x!tpu.dma_semaphore, #tpu.memory_space<semaphore_mem>> -> memref<!tpu.dma_semaphore, #tpu.memory_space<semaphore_mem>>
      %dma_wait3A_136 = arith.constant 0 : i32
      %dma_wait3A_137 = tpu.memref_slice %arg6[%mul3A_114, %dma_wait3A_133, %dma_wait3A_136] : memref<10001x2x128xf32, #tpu.memory_space<any>> -> memref<1024x1x128xf32, #tpu.memory_space<any>>
      %dma_wait3A_138 = tpu.memref_squeeze %dma_wait3A_137 : memref<1024x1x128xf32, #tpu.memory_space<any>> -> memref<1024x128xf32, #tpu.memory_space<any>>
      %dma_wait3A_139 = arith.constant 0 : i32
      %dma_wait3A_140 = arith.constant 0 : i32
      %dma_wait3A_141 = tpu.memref_slice %arg8[%rem3A_0, %dma_wait3A_132, %dma_wait3A_139, %dma_wait3A_140] : memref<2x2x1024x256xf32, #tpu.memory_space<vmem>> -> memref<1x1x1024x256xf32, #tpu.memory_space<vmem>>
      %dma_wait3A_142 = tpu.memref_squeeze %dma_wait3A_141 : memref<1x1x1024x256xf32, #tpu.memory_space<vmem>> -> memref<1024x256xf32, #tpu.memory_space<vmem>>
      %dma_wait3A_143 = arith.constant 0 : i32
      %dma_wait3A_144 = arith.constant 128 : i32
      %dma_wait3A_145 = tpu.memref_slice %dma_wait3A_142[%dma_wait3A_143, %dma_wait3A_144] : memref<1024x256xf32, #tpu.memory_space<vmem>> -> memref<1024x128xf32, #tpu.memory_space<vmem>>
      tpu.wait_dma2 semaphore(%dma_wait3A_135 : memref<!tpu.dma_semaphore, #tpu.memory_space<semaphore_mem>>) src(%dma_wait3A_145 : memref<1024x128xf32, #tpu.memory_space<vmem>>) dst(%dma_wait3A_138 : memref<1024x128xf32, #tpu.memory_space<any>>)
      %dma_wait3A_146 = arith.constant 1 : i32
      %dma_wait3A_147 = arith.constant 1 : i32
      %dma_wait3A_148 = tpu.memref_slice %arg10[%rem3A_0] : memref<2x!tpu.dma_semaphore, #tpu.memory_space<semaphore_mem>> -> memref<1x!tpu.dma_semaphore, #tpu.memory_space<semaphore_mem>>
      %dma_wait3A_149 = tpu.memref_squeeze %dma_wait3A_148 : memref<1x!tpu.dma_semaphore, #tpu.memory_space<semaphore_mem>> -> memref<!tpu.dma_semaphore, #tpu.memory_space<semaphore_mem>>
      %dma_wait3A_150 = arith.constant 0 : i32
      %dma_wait3A_151 = tpu.memref_slice %arg7[%mul3A_116, %dma_wait3A_147, %dma_wait3A_150] : memref<10001x2x128xf32, #tpu.memory_space<any>> -> memref<1024x1x128xf32, #tpu.memory_space<any>>
      %dma_wait3A_152 = tpu.memref_squeeze %dma_wait3A_151 : memref<1024x1x128xf32, #tpu.memory_space<any>> -> memref<1024x128xf32, #tpu.memory_space<any>>
      %dma_wait3A_153 = arith.constant 0 : i32
      %dma_wait3A_154 = arith.constant 0 : i32
      %dma_wait3A_155 = tpu.memref_slice %arg8[%rem3A_0, %dma_wait3A_146, %dma_wait3A_153, %dma_wait3A_154] : memref<2x2x1024x256xf32, #tpu.memory_space<vmem>> -> memref<1x1x1024x256xf32, #tpu.memory_space<vmem>>
      %dma_wait3A_156 = tpu.memref_squeeze %dma_wait3A_155 : memref<1x1x1024x256xf32, #tpu.memory_space<vmem>> -> memref<1024x256xf32, #tpu.memory_space<vmem>>
      %dma_wait3A_157 = arith.constant 0 : i32
      %dma_wait3A_158 = arith.constant 0 : i32
      %dma_wait3A_159 = tpu.memref_slice %dma_wait3A_156[%dma_wait3A_157, %dma_wait3A_158] : memref<1024x256xf32, #tpu.memory_space<vmem>> -> memref<1024x128xf32, #tpu.memory_space<vmem>>
      tpu.wait_dma2 semaphore(%dma_wait3A_149 : memref<!tpu.dma_semaphore, #tpu.memory_space<semaphore_mem>>) src(%dma_wait3A_159 : memref<1024x128xf32, #tpu.memory_space<vmem>>) dst(%dma_wait3A_152 : memref<1024x128xf32, #tpu.memory_space<any>>)
      %dma_wait3A_160 = arith.constant 1 : i32
      %dma_wait3A_161 = arith.constant 1 : i32
      %dma_wait3A_162 = tpu.memref_slice %arg10[%rem3A_0] : memref<2x!tpu.dma_semaphore, #tpu.memory_space<semaphore_mem>> -> memref<1x!tpu.dma_semaphore, #tpu.memory_space<semaphore_mem>>
      %dma_wait3A_163 = tpu.memref_squeeze %dma_wait3A_162 : memref<1x!tpu.dma_semaphore, #tpu.memory_space<semaphore_mem>> -> memref<!tpu.dma_semaphore, #tpu.memory_space<semaphore_mem>>
      %dma_wait3A_164 = arith.constant 0 : i32
      %dma_wait3A_165 = tpu.memref_slice %arg6[%mul3A_118, %dma_wait3A_161, %dma_wait3A_164] : memref<10001x2x128xf32, #tpu.memory_space<any>> -> memref<1024x1x128xf32, #tpu.memory_space<any>>
      %dma_wait3A_166 = tpu.memref_squeeze %dma_wait3A_165 : memref<1024x1x128xf32, #tpu.memory_space<any>> -> memref<1024x128xf32, #tpu.memory_space<any>>
      %dma_wait3A_167 = arith.constant 0 : i32
      %dma_wait3A_168 = arith.constant 0 : i32
      %dma_wait3A_169 = tpu.memref_slice %arg8[%rem3A_0, %dma_wait3A_160, %dma_wait3A_167, %dma_wait3A_168] : memref<2x2x1024x256xf32, #tpu.memory_space<vmem>> -> memref<1x1x1024x256xf32, #tpu.memory_space<vmem>>
      %dma_wait3A_170 = tpu.memref_squeeze %dma_wait3A_169 : memref<1x1x1024x256xf32, #tpu.memory_space<vmem>> -> memref<1024x256xf32, #tpu.memory_space<vmem>>
      %dma_wait3A_171 = arith.constant 0 : i32
      %dma_wait3A_172 = arith.constant 128 : i32
      %dma_wait3A_173 = tpu.memref_slice %dma_wait3A_170[%dma_wait3A_171, %dma_wait3A_172] : memref<1024x256xf32, #tpu.memory_space<vmem>> -> memref<1024x128xf32, #tpu.memory_space<vmem>>
      tpu.wait_dma2 semaphore(%dma_wait3A_163 : memref<!tpu.dma_semaphore, #tpu.memory_space<semaphore_mem>>) src(%dma_wait3A_173 : memref<1024x128xf32, #tpu.memory_space<vmem>>) dst(%dma_wait3A_166 : memref<1024x128xf32, #tpu.memory_space<any>>)
    } else {
    }
    %get3A_17 = arith.constant 0 : index
    %get3A_18 = arith.constant 0 : index
    %get3A_19 = vector.load %arg5[%get3A_17, %get3A_18] : memref<1x128xf32, #tpu.memory_space<vmem>>, vector<1x128xf32>
    %broadcast_in_dim3A_20 = arith.constant 0.000000e+00 : f32
    %broadcast_in_dim3A_21 = vector.broadcast %broadcast_in_dim3A_20 : f32 to vector<1x128xf32>
    %concatenate3A_22 = tpu.concatenate %get3A_19, %broadcast_in_dim3A_21 in 1 : vector<1x128xf32>, vector<1x128xf32> -> vector<1x256xf32>
    %get3A_23 = arith.constant 0 : index
    %get3A_24 = arith.constant 0 : index
    %get3A_25 = arith.constant 0 : index
    %get3A_26 = vector.load %arg1[%get3A_23, %get3A_24, %get3A_25] : memref<2x16x1024xf32, #tpu.memory_space<vmem>>, vector<1x16x1024xf32>
    %get3A_27 = vector.shape_cast %get3A_26 : vector<1x16x1024xf32> to vector<16x1024xf32>
    %slice3A = vector.extract_strided_slice %get3A_27 {offsets = [0, 0], sizes = [8, 1024], strides = [1, 1]} : vector<16x1024xf32> to vector<8x1024xf32>
    %reduce_sum3A = arith.constant dense<0.000000e+00> : vector<1024xf32>
    %reduce_sum3A_28 = vector.multi_reduction <add>, %slice3A, %reduce_sum3A [0] : vector<8x1024xf32> to vector<1024xf32>
    %broadcast_in_dim3A_29 = vector.shape_cast %reduce_sum3A_28 : vector<1024xf32> to vector<1x1024xf32>
    %max3A = arith.constant 1.000000e+00 : f32
    %max3A_30 = vector.broadcast %max3A : f32 to vector<1x1024xf32>
    %max3A_31 = arith.maximumf %broadcast_in_dim3A_29, %max3A_30 : vector<1x1024xf32>
    %div3A = arith.constant 1.000000e+00 : f32
    %div3A_32 = vector.broadcast %div3A : f32 to vector<1x1024xf32>
    %div3A_33 = arith.divf %div3A_32, %max3A_31 : vector<1x1024xf32>
    %lt3A = arith.constant 8 : i32
    %lt3A_34 = vector.broadcast %lt3A : i32 to vector<16x1xi32>
    %lt3A_35 = arith.cmpi slt, %iota3A, %lt3A_34 : vector<16x1xi32>
    %jit3A = arith.constant 1.000000e+00 : f32
    %broadcast_in_dim3A_36 = vector.shape_cast %lt3A_35 : vector<16x1xi1> to vector<16x1xi1>
    %broadcast_in_dim3A_37 = vector.broadcast %broadcast_in_dim3A_36 : vector<16x1xi1> to vector<16x1024xi1>
    %broadcast_in_dim3A_38 = vector.shape_cast %div3A_33 : vector<1x1024xf32> to vector<1x1024xf32>
    %broadcast_in_dim3A_39 = vector.broadcast %broadcast_in_dim3A_38 : vector<1x1024xf32> to vector<16x1024xf32>
    %broadcast_in_dim3A_40 = vector.broadcast %jit3A : f32 to vector<16x1024xf32>
    %select_n3A = arith.select %broadcast_in_dim3A_37, %broadcast_in_dim3A_39, %broadcast_in_dim3A_40 : vector<16x1024xi1>, vector<16x1024xf32>
    %mul3A = arith.mulf %get3A_27, %select_n3A : vector<16x1024xf32>
    %dot_general3A_41 = arith.constant dense<0.000000e+00> : vector<1024x256xf32>
    %dot_general3A_42 = tpu.matmul %mul3A, %concatenate3A_14, %dot_general3A_41 {dimension_numbers = #tpu.dot_dimension_numbers<[0], [0], [1], [1], [0, 1, 1, 1], [], []>, transpose_lhs_hint = false} : vector<16x1024xf32>, vector<16x256xf32>, vector<1024x256xf32> -> vector<1024x256xf32>
    %add3A = vector.broadcast %concatenate3A_22 : vector<1x256xf32> to vector<1024x256xf32>
    %add3A_43 = arith.addf %dot_general3A_42, %add3A : vector<1024x256xf32>
    %swap3A = arith.index_cast %rem3A_0 : i32 to index
    %swap3A_44 = arith.constant 0 : index
    %swap3A_45 = arith.constant 0 : index
    %swap3A_46 = arith.constant 0 : index
    %swap3A_47 = vector.load %arg8[%swap3A, %swap3A_44, %swap3A_45, %swap3A_46] : memref<2x2x1024x256xf32, #tpu.memory_space<vmem>>, vector<1x1x1024x256xf32>
    %swap3A_48 = vector.shape_cast %swap3A_47 : vector<1x1x1024x256xf32> to vector<1024x256xf32>
    %swap3A_49 = vector.shape_cast %add3A_43 : vector<1024x256xf32> to vector<1x1x1024x256xf32>
    tpu.vector_store %arg8[%swap3A, %swap3A_44, %swap3A_45, %swap3A_46], %swap3A_49 {strides = array<i32>} : memref<2x2x1024x256xf32, #tpu.memory_space<vmem>>, vector<1x1x1024x256xf32>,
    %slice3A_50 = vector.extract_strided_slice %add3A_43 {offsets = [784, 0], sizes = [1, 256], strides = [1, 1]} : vector<1024x256xf32> to vector<1x256xf32>
    %swap3A_51 = arith.constant 0 : index
    %swap3A_52 = arith.constant 0 : index
    %swap3A_53 = arith.constant 0 : index
    %swap3A_54 = vector.load %arg9[%swap3A_51, %swap3A_52, %swap3A_53] : memref<2x1x256xf32, #tpu.memory_space<vmem>>, vector<1x1x256xf32>
    %swap3A_55 = vector.shape_cast %swap3A_54 : vector<1x1x256xf32> to vector<1x256xf32>
    %swap3A_56 = vector.shape_cast %slice3A_50 : vector<1x256xf32> to vector<1x1x256xf32>
    tpu.vector_store %arg9[%swap3A_51, %swap3A_52, %swap3A_53], %swap3A_56 {strides = array<i32>} : memref<2x1x256xf32, #tpu.memory_space<vmem>>, vector<1x1x256xf32>,
    %get3A_57 = arith.constant 1 : index
    %get3A_58 = arith.constant 0 : index
    %get3A_59 = arith.constant 0 : index
    %get3A_60 = vector.load %arg1[%get3A_57, %get3A_58, %get3A_59] : memref<2x16x1024xf32, #tpu.memory_space<vmem>>, vector<1x16x1024xf32>
    %get3A_61 = vector.shape_cast %get3A_60 : vector<1x16x1024xf32> to vector<16x1024xf32>
    %slice3A_62 = vector.extract_strided_slice %get3A_61 {offsets = [0, 0], sizes = [8, 1024], strides = [1, 1]} : vector<16x1024xf32> to vector<8x1024xf32>
    %reduce_sum3A_63 = arith.constant dense<0.000000e+00> : vector<1024xf32>
    %reduce_sum3A_64 = vector.multi_reduction <add>, %slice3A_62, %reduce_sum3A_63 [0] : vector<8x1024xf32> to vector<1024xf32>
    %broadcast_in_dim3A_65 = vector.shape_cast %reduce_sum3A_64 : vector<1024xf32> to vector<1x1024xf32>
    %max3A_66 = arith.constant 1.000000e+00 : f32
    %max3A_67 = vector.broadcast %max3A_66 : f32 to vector<1x1024xf32>
    %max3A_68 = arith.maximumf %broadcast_in_dim3A_65, %max3A_67 : vector<1x1024xf32>
    %div3A_69 = arith.constant 1.000000e+00 : f32
    %div3A_70 = vector.broadcast %div3A_69 : f32 to vector<1x1024xf32>
    %div3A_71 = arith.divf %div3A_70, %max3A_68 : vector<1x1024xf32>
    %lt3A_72 = arith.constant 8 : i32
    %lt3A_73 = vector.broadcast %lt3A_72 : i32 to vector<16x1xi32>
    %lt3A_74 = arith.cmpi slt, %iota3A, %lt3A_73 : vector<16x1xi32>
    %jit3A_75 = arith.constant 1.000000e+00 : f32
    %broadcast_in_dim3A_76 = vector.shape_cast %lt3A_74 : vector<16x1xi1> to vector<16x1xi1>
    %broadcast_in_dim3A_77 = vector.broadcast %broadcast_in_dim3A_76 : vector<16x1xi1> to vector<16x1024xi1>
    %broadcast_in_dim3A_78 = vector.shape_cast %div3A_71 : vector<1x1024xf32> to vector<1x1024xf32>
    %broadcast_in_dim3A_79 = vector.broadcast %broadcast_in_dim3A_78 : vector<1x1024xf32> to vector<16x1024xf32>
    %broadcast_in_dim3A_80 = vector.broadcast %jit3A_75 : f32 to vector<16x1024xf32>
    %select_n3A_81 = arith.select %broadcast_in_dim3A_77, %broadcast_in_dim3A_79, %broadcast_in_dim3A_80 : vector<16x1024xi1>, vector<16x1024xf32>
    %mul3A_82 = arith.mulf %get3A_61, %select_n3A_81 : vector<16x1024xf32>
    %dot_general3A_83 = arith.constant dense<0.000000e+00> : vector<1024x256xf32>
    %dot_general3A_84 = tpu.matmul %mul3A_82, %concatenate3A_14, %dot_general3A_83 {dimension_numbers = #tpu.dot_dimension_numbers<[0], [0], [1], [1], [0, 1, 1, 1], [], []>, transpose_lhs_hint = false} : vector<16x1024xf32>, vector<16x256xf32>, vector<1024x256xf32> -> vector<1024x256xf32>
    %add3A_85 = vector.broadcast %concatenate3A_22 : vector<1x256xf32> to vector<1024x256xf32>
    %add3A_86 = arith.addf %dot_general3A_84, %add3A_85 : vector<1024x256xf32>
    %swap3A_87 = arith.index_cast %rem3A_0 : i32 to index
    %swap3A_88 = arith.constant 1 : index
    %swap3A_89 = arith.constant 0 : index
    %swap3A_90 = arith.constant 0 : index
    %swap3A_91 = vector.load %arg8[%swap3A_87, %swap3A_88, %swap3A_89, %swap3A_90] : memref<2x2x1024x256xf32, #tpu.memory_space<vmem>>, vector<1x1x1024x256xf32>
    %swap3A_92 = vector.shape_cast %swap3A_91 : vector<1x1x1024x256xf32> to vector<1024x256xf32>
    %swap3A_93 = vector.shape_cast %add3A_86 : vector<1024x256xf32> to vector<1x1x1024x256xf32>
    tpu.vector_store %arg8[%swap3A_87, %swap3A_88, %swap3A_89, %swap3A_90], %swap3A_93 {strides = array<i32>} : memref<2x2x1024x256xf32, #tpu.memory_space<vmem>>, vector<1x1x1024x256xf32>,
    %slice3A_94 = vector.extract_strided_slice %add3A_86 {offsets = [784, 0], sizes = [1, 256], strides = [1, 1]} : vector<1024x256xf32> to vector<1x256xf32>
    %swap3A_95 = arith.constant 1 : index
    %swap3A_96 = arith.constant 0 : index
    %swap3A_97 = arith.constant 0 : index
    %swap3A_98 = vector.load %arg9[%swap3A_95, %swap3A_96, %swap3A_97] : memref<2x1x256xf32, #tpu.memory_space<vmem>>, vector<1x1x256xf32>
    %swap3A_99 = vector.shape_cast %swap3A_98 : vector<1x1x256xf32> to vector<1x256xf32>
    %swap3A_100 = vector.shape_cast %slice3A_94 : vector<1x256xf32> to vector<1x1x256xf32>
    tpu.vector_store %arg9[%swap3A_95, %swap3A_96, %swap3A_97], %swap3A_100 {strides = array<i32>} : memref<2x1x256xf32, #tpu.memory_space<vmem>>, vector<1x1x256xf32>,
    %lt3A_101 = arith.constant 9 : i32
    %lt3A_102 = arith.cmpi slt, %arg0, %lt3A_101 : i32
    %convert_element_type3A_103 = arith.extui %lt3A_102 : i1 to i32
    %cond3A_104 = arith.constant 0 : i32
    %cond3A_105 = arith.cmpi ne, %convert_element_type3A_103, %cond3A_104 : i32
    scf.if %cond3A_105 {
      %mul3A_110 = arith.constant 1024 : i32
      %mul3A_111 = arith.muli %arg0, %mul3A_110 : i32
      %mul3A_112 = arith.constant 1024 : i32
      %mul3A_113 = arith.muli %arg0, %mul3A_112 : i32
      %mul3A_114 = arith.constant 1024 : i32
      %mul3A_115 = arith.muli %arg0, %mul3A_114 : i32
      %mul3A_116 = arith.constant 1024 : i32
      %mul3A_117 = arith.muli %arg0, %mul3A_116 : i32
      %dma_start3A = arith.constant 0 : i32
      %dma_start3A_118 = arith.constant 0 : i32
      %dma_start3A_119 = tpu.memref_slice %arg10[%rem3A_0] : memref<2x!tpu.dma_semaphore, #tpu.memory_space<semaphore_mem>> -> memref<1x!tpu.dma_semaphore, #tpu.memory_space<semaphore_mem>>
      %dma_start3A_120 = tpu.memref_squeeze %dma_start3A_119 : memref<1x!tpu.dma_semaphore, #tpu.memory_space<semaphore_mem>> -> memref<!tpu.dma_semaphore, #tpu.memory_space<semaphore_mem>>
      %dma_start3A_121 = arith.constant 0 : i32
      %dma_start3A_122 = tpu.memref_slice %arg7[%mul3A_111, %dma_start3A_118, %dma_start3A_121] : memref<10001x2x128xf32, #tpu.memory_space<any>> -> memref<1024x1x128xf32, #tpu.memory_space<any>>
      %dma_start3A_123 = tpu.memref_squeeze %dma_start3A_122 : memref<1024x1x128xf32, #tpu.memory_space<any>> -> memref<1024x128xf32, #tpu.memory_space<any>>
      %dma_start3A_124 = arith.constant 0 : i32
      %dma_start3A_125 = arith.constant 0 : i32
      %dma_start3A_126 = tpu.memref_slice %arg8[%rem3A_0, %dma_start3A, %dma_start3A_124, %dma_start3A_125] : memref<2x2x1024x256xf32, #tpu.memory_space<vmem>> -> memref<1x1x1024x256xf32, #tpu.memory_space<vmem>>
      %dma_start3A_127 = tpu.memref_squeeze %dma_start3A_126 : memref<1x1x1024x256xf32, #tpu.memory_space<vmem>> -> memref<1024x256xf32, #tpu.memory_space<vmem>>
      %dma_start3A_128 = arith.constant 0 : i32
      %dma_start3A_129 = arith.constant 0 : i32
      %dma_start3A_130 = tpu.memref_slice %dma_start3A_127[%dma_start3A_128, %dma_start3A_129] : memref<1024x256xf32, #tpu.memory_space<vmem>> -> memref<1024x128xf32, #tpu.memory_space<vmem>>
      tpu.enqueue_dma source(%dma_start3A_130 : memref<1024x128xf32, #tpu.memory_space<vmem>>) target(%dma_start3A_123 : memref<1024x128xf32, #tpu.memory_space<any>>) target_semaphore(%dma_start3A_120 : memref<!tpu.dma_semaphore, #tpu.memory_space<semaphore_mem>>)
      %dma_start3A_131 = arith.constant 0 : i32
      %dma_start3A_132 = arith.constant 0 : i32
      %dma_start3A_133 = tpu.memref_slice %arg10[%rem3A_0] : memref<2x!tpu.dma_semaphore, #tpu.memory_space<semaphore_mem>> -> memref<1x!tpu.dma_semaphore, #tpu.memory_space<semaphore_mem>>
      %dma_start3A_134 = tpu.memref_squeeze %dma_start3A_133 : memref<1x!tpu.dma_semaphore, #tpu.memory_space<semaphore_mem>> -> memref<!tpu.dma_semaphore, #tpu.memory_space<semaphore_mem>>
      %dma_start3A_135 = arith.constant 0 : i32
      %dma_start3A_136 = tpu.memref_slice %arg6[%mul3A_113, %dma_start3A_132, %dma_start3A_135] : memref<10001x2x128xf32, #tpu.memory_space<any>> -> memref<1024x1x128xf32, #tpu.memory_space<any>>
      %dma_start3A_137 = tpu.memref_squeeze %dma_start3A_136 : memref<1024x1x128xf32, #tpu.memory_space<any>> -> memref<1024x128xf32, #tpu.memory_space<any>>
      %dma_start3A_138 = arith.constant 0 : i32
      %dma_start3A_139 = arith.constant 0 : i32
      %dma_start3A_140 = tpu.memref_slice %arg8[%rem3A_0, %dma_start3A_131, %dma_start3A_138, %dma_start3A_139] : memref<2x2x1024x256xf32, #tpu.memory_space<vmem>> -> memref<1x1x1024x256xf32, #tpu.memory_space<vmem>>
      %dma_start3A_141 = tpu.memref_squeeze %dma_start3A_140 : memref<1x1x1024x256xf32, #tpu.memory_space<vmem>> -> memref<1024x256xf32, #tpu.memory_space<vmem>>
      %dma_start3A_142 = arith.constant 0 : i32
      %dma_start3A_143 = arith.constant 128 : i32
      %dma_start3A_144 = tpu.memref_slice %dma_start3A_141[%dma_start3A_142, %dma_start3A_143] : memref<1024x256xf32, #tpu.memory_space<vmem>> -> memref<1024x128xf32, #tpu.memory_space<vmem>>
      tpu.enqueue_dma source(%dma_start3A_144 : memref<1024x128xf32, #tpu.memory_space<vmem>>) target(%dma_start3A_137 : memref<1024x128xf32, #tpu.memory_space<any>>) target_semaphore(%dma_start3A_134 : memref<!tpu.dma_semaphore, #tpu.memory_space<semaphore_mem>>)
      %dma_start3A_145 = arith.constant 1 : i32
      %dma_start3A_146 = arith.constant 1 : i32
      %dma_start3A_147 = tpu.memref_slice %arg10[%rem3A_0] : memref<2x!tpu.dma_semaphore, #tpu.memory_space<semaphore_mem>> -> memref<1x!tpu.dma_semaphore, #tpu.memory_space<semaphore_mem>>
      %dma_start3A_148 = tpu.memref_squeeze %dma_start3A_147 : memref<1x!tpu.dma_semaphore, #tpu.memory_space<semaphore_mem>> -> memref<!tpu.dma_semaphore, #tpu.memory_space<semaphore_mem>>
      %dma_start3A_149 = arith.constant 0 : i32
      %dma_start3A_150 = tpu.memref_slice %arg7[%mul3A_115, %dma_start3A_146, %dma_start3A_149] : memref<10001x2x128xf32, #tpu.memory_space<any>> -> memref<1024x1x128xf32, #tpu.memory_space<any>>
      %dma_start3A_151 = tpu.memref_squeeze %dma_start3A_150 : memref<1024x1x128xf32, #tpu.memory_space<any>> -> memref<1024x128xf32, #tpu.memory_space<any>>
      %dma_start3A_152 = arith.constant 0 : i32
      %dma_start3A_153 = arith.constant 0 : i32
      %dma_start3A_154 = tpu.memref_slice %arg8[%rem3A_0, %dma_start3A_145, %dma_start3A_152, %dma_start3A_153] : memref<2x2x1024x256xf32, #tpu.memory_space<vmem>> -> memref<1x1x1024x256xf32, #tpu.memory_space<vmem>>
      %dma_start3A_155 = tpu.memref_squeeze %dma_start3A_154 : memref<1x1x1024x256xf32, #tpu.memory_space<vmem>> -> memref<1024x256xf32, #tpu.memory_space<vmem>>
      %dma_start3A_156 = arith.constant 0 : i32
      %dma_start3A_157 = arith.constant 0 : i32
      %dma_start3A_158 = tpu.memref_slice %dma_start3A_155[%dma_start3A_156, %dma_start3A_157] : memref<1024x256xf32, #tpu.memory_space<vmem>> -> memref<1024x128xf32, #tpu.memory_space<vmem>>
      tpu.enqueue_dma source(%dma_start3A_158 : memref<1024x128xf32, #tpu.memory_space<vmem>>) target(%dma_start3A_151 : memref<1024x128xf32, #tpu.memory_space<any>>) target_semaphore(%dma_start3A_148 : memref<!tpu.dma_semaphore, #tpu.memory_space<semaphore_mem>>)
      %dma_start3A_159 = arith.constant 1 : i32
      %dma_start3A_160 = arith.constant 1 : i32
      %dma_start3A_161 = tpu.memref_slice %arg10[%rem3A_0] : memref<2x!tpu.dma_semaphore, #tpu.memory_space<semaphore_mem>> -> memref<1x!tpu.dma_semaphore, #tpu.memory_space<semaphore_mem>>
      %dma_start3A_162 = tpu.memref_squeeze %dma_start3A_161 : memref<1x!tpu.dma_semaphore, #tpu.memory_space<semaphore_mem>> -> memref<!tpu.dma_semaphore, #tpu.memory_space<semaphore_mem>>
      %dma_start3A_163 = arith.constant 0 : i32
      %dma_start3A_164 = tpu.memref_slice %arg6[%mul3A_117, %dma_start3A_160, %dma_start3A_163] : memref<10001x2x128xf32, #tpu.memory_space<any>> -> memref<1024x1x128xf32, #tpu.memory_space<any>>
      %dma_start3A_165 = tpu.memref_squeeze %dma_start3A_164 : memref<1024x1x128xf32, #tpu.memory_space<any>> -> memref<1024x128xf32, #tpu.memory_space<any>>
      %dma_start3A_166 = arith.constant 0 : i32
      %dma_start3A_167 = arith.constant 0 : i32
      %dma_start3A_168 = tpu.memref_slice %arg8[%rem3A_0, %dma_start3A_159, %dma_start3A_166, %dma_start3A_167] : memref<2x2x1024x256xf32, #tpu.memory_space<vmem>> -> memref<1x1x1024x256xf32, #tpu.memory_space<vmem>>
      %dma_start3A_169 = tpu.memref_squeeze %dma_start3A_168 : memref<1x1x1024x256xf32, #tpu.memory_space<vmem>> -> memref<1024x256xf32, #tpu.memory_space<vmem>>
      %dma_start3A_170 = arith.constant 0 : i32
      %dma_start3A_171 = arith.constant 128 : i32
      %dma_start3A_172 = tpu.memref_slice %dma_start3A_169[%dma_start3A_170, %dma_start3A_171] : memref<1024x256xf32, #tpu.memory_space<vmem>> -> memref<1024x128xf32, #tpu.memory_space<vmem>>
      tpu.enqueue_dma source(%dma_start3A_172 : memref<1024x128xf32, #tpu.memory_space<vmem>>) target(%dma_start3A_165 : memref<1024x128xf32, #tpu.memory_space<any>>) target_semaphore(%dma_start3A_162 : memref<!tpu.dma_semaphore, #tpu.memory_space<semaphore_mem>>)
    } else {
    }
    %eq3A = arith.constant 9 : i32
    %eq3A_106 = arith.cmpi eq, %arg0, %eq3A : i32
    %convert_element_type3A_107 = arith.extui %eq3A_106 : i1 to i32
    %cond3A_108 = arith.constant 0 : i32
    %cond3A_109 = arith.cmpi ne, %convert_element_type3A_107, %cond3A_108 : i32
    scf.if %cond3A_109 {
      %mul3A_110 = arith.constant 1024 : i32
      %mul3A_111 = arith.muli %arg0, %mul3A_110 : i32
      %add3A_112 = arith.constant 785 : i32
      %add3A_113 = arith.addi %mul3A_111, %add3A_112 : i32
      %sub3A = arith.constant 1 : i32
      %sub3A_114 = arith.subi %add3A_113, %sub3A : i32
      %mul3A_115 = arith.constant 1024 : i32
      %mul3A_116 = arith.muli %arg0, %mul3A_115 : i32
      %mul3A_117 = arith.constant 1024 : i32
      %mul3A_118 = arith.muli %arg0, %mul3A_117 : i32
      %mul3A_119 = arith.constant 1024 : i32
      %mul3A_120 = arith.muli %arg0, %mul3A_119 : i32
      %mul3A_121 = arith.constant 1024 : i32
      %mul3A_122 = arith.muli %arg0, %mul3A_121 : i32
      %dma_start3A = arith.constant 0 : i32
      %dma_start3A_123 = arith.constant 0 : i32
      %dma_start3A_124 = tpu.memref_slice %arg10[%rem3A_0] : memref<2x!tpu.dma_semaphore, #tpu.memory_space<semaphore_mem>> -> memref<1x!tpu.dma_semaphore, #tpu.memory_space<semaphore_mem>>
      %dma_start3A_125 = tpu.memref_squeeze %dma_start3A_124 : memref<1x!tpu.dma_semaphore, #tpu.memory_space<semaphore_mem>> -> memref<!tpu.dma_semaphore, #tpu.memory_space<semaphore_mem>>
      %dma_start3A_126 = arith.constant 0 : i32
      %dma_start3A_127 = tpu.memref_slice %arg7[%mul3A_116, %dma_start3A_123, %dma_start3A_126] : memref<10001x2x128xf32, #tpu.memory_space<any>> -> memref<784x1x128xf32, #tpu.memory_space<any>>
      %dma_start3A_128 = tpu.memref_squeeze %dma_start3A_127 : memref<784x1x128xf32, #tpu.memory_space<any>> -> memref<784x128xf32, #tpu.memory_space<any>>
      %dma_start3A_129 = arith.constant 0 : i32
      %dma_start3A_130 = arith.constant 0 : i32
      %dma_start3A_131 = tpu.memref_slice %arg8[%rem3A_0, %dma_start3A, %dma_start3A_129, %dma_start3A_130] : memref<2x2x1024x256xf32, #tpu.memory_space<vmem>> -> memref<1x1x784x256xf32, #tpu.memory_space<vmem>>
      %dma_start3A_132 = tpu.memref_squeeze %dma_start3A_131 : memref<1x1x784x256xf32, #tpu.memory_space<vmem>> -> memref<784x256xf32, #tpu.memory_space<vmem>>
      %dma_start3A_133 = arith.constant 0 : i32
      %dma_start3A_134 = arith.constant 0 : i32
      %dma_start3A_135 = tpu.memref_slice %dma_start3A_132[%dma_start3A_133, %dma_start3A_134] : memref<784x256xf32, #tpu.memory_space<vmem>> -> memref<784x128xf32, #tpu.memory_space<vmem>>
      tpu.enqueue_dma source(%dma_start3A_135 : memref<784x128xf32, #tpu.memory_space<vmem>>) target(%dma_start3A_128 : memref<784x128xf32, #tpu.memory_space<any>>) target_semaphore(%dma_start3A_125 : memref<!tpu.dma_semaphore, #tpu.memory_space<semaphore_mem>>)
      %dma_start3A_136 = arith.constant 0 : i32
      %dma_start3A_137 = arith.constant 0 : i32
      %dma_start3A_138 = tpu.memref_slice %arg10[%rem3A_0] : memref<2x!tpu.dma_semaphore, #tpu.memory_space<semaphore_mem>> -> memref<1x!tpu.dma_semaphore, #tpu.memory_space<semaphore_mem>>
      %dma_start3A_139 = tpu.memref_squeeze %dma_start3A_138 : memref<1x!tpu.dma_semaphore, #tpu.memory_space<semaphore_mem>> -> memref<!tpu.dma_semaphore, #tpu.memory_space<semaphore_mem>>
      %dma_start3A_140 = arith.constant 0 : i32
      %dma_start3A_141 = tpu.memref_slice %arg6[%mul3A_118, %dma_start3A_137, %dma_start3A_140] : memref<10001x2x128xf32, #tpu.memory_space<any>> -> memref<784x1x128xf32, #tpu.memory_space<any>>
      %dma_start3A_142 = tpu.memref_squeeze %dma_start3A_141 : memref<784x1x128xf32, #tpu.memory_space<any>> -> memref<784x128xf32, #tpu.memory_space<any>>
      %dma_start3A_143 = arith.constant 0 : i32
      %dma_start3A_144 = arith.constant 0 : i32
      %dma_start3A_145 = tpu.memref_slice %arg8[%rem3A_0, %dma_start3A_136, %dma_start3A_143, %dma_start3A_144] : memref<2x2x1024x256xf32, #tpu.memory_space<vmem>> -> memref<1x1x784x256xf32, #tpu.memory_space<vmem>>
      %dma_start3A_146 = tpu.memref_squeeze %dma_start3A_145 : memref<1x1x784x256xf32, #tpu.memory_space<vmem>> -> memref<784x256xf32, #tpu.memory_space<vmem>>
      %dma_start3A_147 = arith.constant 0 : i32
      %dma_start3A_148 = arith.constant 128 : i32
      %dma_start3A_149 = tpu.memref_slice %dma_start3A_146[%dma_start3A_147, %dma_start3A_148] : memref<784x256xf32, #tpu.memory_space<vmem>> -> memref<784x128xf32, #tpu.memory_space<vmem>>
      tpu.enqueue_dma source(%dma_start3A_149 : memref<784x128xf32, #tpu.memory_space<vmem>>) target(%dma_start3A_142 : memref<784x128xf32, #tpu.memory_space<any>>) target_semaphore(%dma_start3A_139 : memref<!tpu.dma_semaphore, #tpu.memory_space<semaphore_mem>>)
      %dma_start3A_150 = arith.constant 1 : i32
      %dma_start3A_151 = arith.constant 1 : i32
      %dma_start3A_152 = tpu.memref_slice %arg10[%rem3A_0] : memref<2x!tpu.dma_semaphore, #tpu.memory_space<semaphore_mem>> -> memref<1x!tpu.dma_semaphore, #tpu.memory_space<semaphore_mem>>
      %dma_start3A_153 = tpu.memref_squeeze %dma_start3A_152 : memref<1x!tpu.dma_semaphore, #tpu.memory_space<semaphore_mem>> -> memref<!tpu.dma_semaphore, #tpu.memory_space<semaphore_mem>>
      %dma_start3A_154 = arith.constant 0 : i32
      %dma_start3A_155 = tpu.memref_slice %arg7[%mul3A_120, %dma_start3A_151, %dma_start3A_154] : memref<10001x2x128xf32, #tpu.memory_space<any>> -> memref<784x1x128xf32, #tpu.memory_space<any>>
      %dma_start3A_156 = tpu.memref_squeeze %dma_start3A_155 : memref<784x1x128xf32, #tpu.memory_space<any>> -> memref<784x128xf32, #tpu.memory_space<any>>
      %dma_start3A_157 = arith.constant 0 : i32
      %dma_start3A_158 = arith.constant 0 : i32
      %dma_start3A_159 = tpu.memref_slice %arg8[%rem3A_0, %dma_start3A_150, %dma_start3A_157, %dma_start3A_158] : memref<2x2x1024x256xf32, #tpu.memory_space<vmem>> -> memref<1x1x784x256xf32, #tpu.memory_space<vmem>>
      %dma_start3A_160 = tpu.memref_squeeze %dma_start3A_159 : memref<1x1x784x256xf32, #tpu.memory_space<vmem>> -> memref<784x256xf32, #tpu.memory_space<vmem>>
      %dma_start3A_161 = arith.constant 0 : i32
      %dma_start3A_162 = arith.constant 0 : i32
      %dma_start3A_163 = tpu.memref_slice %dma_start3A_160[%dma_start3A_161, %dma_start3A_162] : memref<784x256xf32, #tpu.memory_space<vmem>> -> memref<784x128xf32, #tpu.memory_space<vmem>>
      tpu.enqueue_dma source(%dma_start3A_163 : memref<784x128xf32, #tpu.memory_space<vmem>>) target(%dma_start3A_156 : memref<784x128xf32, #tpu.memory_space<any>>) target_semaphore(%dma_start3A_153 : memref<!tpu.dma_semaphore, #tpu.memory_space<semaphore_mem>>)
      %dma_start3A_164 = arith.constant 1 : i32
      %dma_start3A_165 = arith.constant 1 : i32
      %dma_start3A_166 = tpu.memref_slice %arg10[%rem3A_0] : memref<2x!tpu.dma_semaphore, #tpu.memory_space<semaphore_mem>> -> memref<1x!tpu.dma_semaphore, #tpu.memory_space<semaphore_mem>>
      %dma_start3A_167 = tpu.memref_squeeze %dma_start3A_166 : memref<1x!tpu.dma_semaphore, #tpu.memory_space<semaphore_mem>> -> memref<!tpu.dma_semaphore, #tpu.memory_space<semaphore_mem>>
      %dma_start3A_168 = arith.constant 0 : i32
      %dma_start3A_169 = tpu.memref_slice %arg6[%mul3A_122, %dma_start3A_165, %dma_start3A_168] : memref<10001x2x128xf32, #tpu.memory_space<any>> -> memref<784x1x128xf32, #tpu.memory_space<any>>
      %dma_start3A_170 = tpu.memref_squeeze %dma_start3A_169 : memref<784x1x128xf32, #tpu.memory_space<any>> -> memref<784x128xf32, #tpu.memory_space<any>>
      %dma_start3A_171 = arith.constant 0 : i32
      %dma_start3A_172 = arith.constant 0 : i32
      %dma_start3A_173 = tpu.memref_slice %arg8[%rem3A_0, %dma_start3A_164, %dma_start3A_171, %dma_start3A_172] : memref<2x2x1024x256xf32, #tpu.memory_space<vmem>> -> memref<1x1x784x256xf32, #tpu.memory_space<vmem>>
      %dma_start3A_174 = tpu.memref_squeeze %dma_start3A_173 : memref<1x1x784x256xf32, #tpu.memory_space<vmem>> -> memref<784x256xf32, #tpu.memory_space<vmem>>
      %dma_start3A_175 = arith.constant 0 : i32
      %dma_start3A_176 = arith.constant 128 : i32
      %dma_start3A_177 = tpu.memref_slice %dma_start3A_174[%dma_start3A_175, %dma_start3A_176] : memref<784x256xf32, #tpu.memory_space<vmem>> -> memref<784x128xf32, #tpu.memory_space<vmem>>
      tpu.enqueue_dma source(%dma_start3A_177 : memref<784x128xf32, #tpu.memory_space<vmem>>) target(%dma_start3A_170 : memref<784x128xf32, #tpu.memory_space<any>>) target_semaphore(%dma_start3A_167 : memref<!tpu.dma_semaphore, #tpu.memory_space<semaphore_mem>>)
      %dma_start3A_178 = arith.constant 0 : i32
      %dma_start3A_179 = arith.constant 0 : i32
      %dma_start3A_180 = tpu.memref_slice %arg10[%rem3A_0] : memref<2x!tpu.dma_semaphore, #tpu.memory_space<semaphore_mem>> -> memref<1x!tpu.dma_semaphore, #tpu.memory_space<semaphore_mem>>
      %dma_start3A_181 = tpu.memref_squeeze %dma_start3A_180 : memref<1x!tpu.dma_semaphore, #tpu.memory_space<semaphore_mem>> -> memref<!tpu.dma_semaphore, #tpu.memory_space<semaphore_mem>>
      %dma_start3A_182 = arith.constant 0 : i32
      %dma_start3A_183 = tpu.memref_slice %arg7[%sub3A_114, %dma_start3A_179, %dma_start3A_182] : memref<10001x2x128xf32, #tpu.memory_space<any>> -> memref<1x1x128xf32, #tpu.memory_space<any>>
      %dma_start3A_184 = tpu.memref_squeeze %dma_start3A_183 : memref<1x1x128xf32, #tpu.memory_space<any>> -> memref<1x128xf32, #tpu.memory_space<any>>
      %dma_start3A_185 = arith.constant 0 : i32
      %dma_start3A_186 = arith.constant 0 : i32
      %dma_start3A_187 = tpu.memref_slice %arg9[%dma_start3A_178, %dma_start3A_185, %dma_start3A_186] : memref<2x1x256xf32, #tpu.memory_space<vmem>> -> memref<1x1x128xf32, #tpu.memory_space<vmem>>
      %dma_start3A_188 = tpu.memref_squeeze %dma_start3A_187 : memref<1x1x128xf32, #tpu.memory_space<vmem>> -> memref<1x128xf32, #tpu.memory_space<vmem>>
      tpu.enqueue_dma source(%dma_start3A_188 : memref<1x128xf32, #tpu.memory_space<vmem>>) target(%dma_start3A_184 : memref<1x128xf32, #tpu.memory_space<any>>) target_semaphore(%dma_start3A_181 : memref<!tpu.dma_semaphore, #tpu.memory_space<semaphore_mem>>)
      %dma_start3A_189 = arith.constant 0 : i32
      %dma_start3A_190 = arith.constant 0 : i32
      %dma_start3A_191 = tpu.memref_slice %arg10[%rem3A_0] : memref<2x!tpu.dma_semaphore, #tpu.memory_space<semaphore_mem>> -> memref<1x!tpu.dma_semaphore, #tpu.memory_space<semaphore_mem>>
      %dma_start3A_192 = tpu.memref_squeeze %dma_start3A_191 : memref<1x!tpu.dma_semaphore, #tpu.memory_space<semaphore_mem>> -> memref<!tpu.dma_semaphore, #tpu.memory_space<semaphore_mem>>
      %dma_start3A_193 = arith.constant 0 : i32
      %dma_start3A_194 = tpu.memref_slice %arg6[%sub3A_114, %dma_start3A_190, %dma_start3A_193] : memref<10001x2x128xf32, #tpu.memory_space<any>> -> memref<1x1x128xf32, #tpu.memory_space<any>>
      %dma_start3A_195 = tpu.memref_squeeze %dma_start3A_194 : memref<1x1x128xf32, #tpu.memory_space<any>> -> memref<1x128xf32, #tpu.memory_space<any>>
      %dma_start3A_196 = arith.constant 0 : i32
      %dma_start3A_197 = arith.constant 128 : i32
      %dma_start3A_198 = tpu.memref_slice %arg9[%dma_start3A_189, %dma_start3A_196, %dma_start3A_197] : memref<2x1x256xf32, #tpu.memory_space<vmem>> -> memref<1x1x128xf32, #tpu.memory_space<vmem>>
      %dma_start3A_199 = tpu.memref_squeeze %dma_start3A_198 : memref<1x1x128xf32, #tpu.memory_space<vmem>> -> memref<1x128xf32, #tpu.memory_space<vmem>>
      tpu.enqueue_dma source(%dma_start3A_199 : memref<1x128xf32, #tpu.memory_space<vmem>>) target(%dma_start3A_195 : memref<1x128xf32, #tpu.memory_space<any>>) target_semaphore(%dma_start3A_192 : memref<!tpu.dma_semaphore, #tpu.memory_space<semaphore_mem>>)
      %dma_start3A_200 = arith.constant 1 : i32
      %dma_start3A_201 = arith.constant 1 : i32
      %dma_start3A_202 = tpu.memref_slice %arg10[%rem3A_0] : memref<2x!tpu.dma_semaphore, #tpu.memory_space<semaphore_mem>> -> memref<1x!tpu.dma_semaphore, #tpu.memory_space<semaphore_mem>>
      %dma_start3A_203 = tpu.memref_squeeze %dma_start3A_202 : memref<1x!tpu.dma_semaphore, #tpu.memory_space<semaphore_mem>> -> memref<!tpu.dma_semaphore, #tpu.memory_space<semaphore_mem>>
      %dma_start3A_204 = arith.constant 0 : i32
      %dma_start3A_205 = tpu.memref_slice %arg7[%sub3A_114, %dma_start3A_201, %dma_start3A_204] : memref<10001x2x128xf32, #tpu.memory_space<any>> -> memref<1x1x128xf32, #tpu.memory_space<any>>
      %dma_start3A_206 = tpu.memref_squeeze %dma_start3A_205 : memref<1x1x128xf32, #tpu.memory_space<any>> -> memref<1x128xf32, #tpu.memory_space<any>>
      %dma_start3A_207 = arith.constant 0 : i32
      %dma_start3A_208 = arith.constant 0 : i32
      %dma_start3A_209 = tpu.memref_slice %arg9[%dma_start3A_200, %dma_start3A_207, %dma_start3A_208] : memref<2x1x256xf32, #tpu.memory_space<vmem>> -> memref<1x1x128xf32, #tpu.memory_space<vmem>>
      %dma_start3A_210 = tpu.memref_squeeze %dma_start3A_209 : memref<1x1x128xf32, #tpu.memory_space<vmem>> -> memref<1x128xf32, #tpu.memory_space<vmem>>
      tpu.enqueue_dma source(%dma_start3A_210 : memref<1x128xf32, #tpu.memory_space<vmem>>) target(%dma_start3A_206 : memref<1x128xf32, #tpu.memory_space<any>>) target_semaphore(%dma_start3A_203 : memref<!tpu.dma_semaphore, #tpu.memory_space<semaphore_mem>>)
      %dma_start3A_211 = arith.constant 1 : i32
      %dma_start3A_212 = arith.constant 1 : i32
      %dma_start3A_213 = tpu.memref_slice %arg10[%rem3A_0] : memref<2x!tpu.dma_semaphore, #tpu.memory_space<semaphore_mem>> -> memref<1x!tpu.dma_semaphore, #tpu.memory_space<semaphore_mem>>
      %dma_start3A_214 = tpu.memref_squeeze %dma_start3A_213 : memref<1x!tpu.dma_semaphore, #tpu.memory_space<semaphore_mem>> -> memref<!tpu.dma_semaphore, #tpu.memory_space<semaphore_mem>>
      %dma_start3A_215 = arith.constant 0 : i32
      %dma_start3A_216 = tpu.memref_slice %arg6[%sub3A_114, %dma_start3A_212, %dma_start3A_215] : memref<10001x2x128xf32, #tpu.memory_space<any>> -> memref<1x1x128xf32, #tpu.memory_space<any>>
      %dma_start3A_217 = tpu.memref_squeeze %dma_start3A_216 : memref<1x1x128xf32, #tpu.memory_space<any>> -> memref<1x128xf32, #tpu.memory_space<any>>
      %dma_start3A_218 = arith.constant 0 : i32
      %dma_start3A_219 = arith.constant 128 : i32
      %dma_start3A_220 = tpu.memref_slice %arg9[%dma_start3A_211, %dma_start3A_218, %dma_start3A_219] : memref<2x1x256xf32, #tpu.memory_space<vmem>> -> memref<1x1x128xf32, #tpu.memory_space<vmem>>
      %dma_start3A_221 = tpu.memref_squeeze %dma_start3A_220 : memref<1x1x128xf32, #tpu.memory_space<vmem>> -> memref<1x128xf32, #tpu.memory_space<vmem>>
      tpu.enqueue_dma source(%dma_start3A_221 : memref<1x128xf32, #tpu.memory_space<vmem>>) target(%dma_start3A_217 : memref<1x128xf32, #tpu.memory_space<any>>) target_semaphore(%dma_start3A_214 : memref<!tpu.dma_semaphore, #tpu.memory_space<semaphore_mem>>)
      %sub3A_222 = arith.constant 1 : i32
      %sub3A_223 = arith.subi %sub3A_222, %rem3A_0 : i32
      %sub3A_224 = arith.constant 1 : i32
      %sub3A_225 = arith.subi %arg0, %sub3A_224 : i32
      %mul3A_226 = arith.constant 1024 : i32
      %mul3A_227 = arith.muli %sub3A_225, %mul3A_226 : i32
      %mul3A_228 = arith.constant 1024 : i32
      %mul3A_229 = arith.muli %sub3A_225, %mul3A_228 : i32
      %mul3A_230 = arith.constant 1024 : i32
      %mul3A_231 = arith.muli %sub3A_225, %mul3A_230 : i32
      %mul3A_232 = arith.constant 1024 : i32
      %mul3A_233 = arith.muli %sub3A_225, %mul3A_232 : i32
      %dma_wait3A = arith.constant 0 : i32
      %dma_wait3A_234 = arith.constant 0 : i32
      %dma_wait3A_235 = tpu.memref_slice %arg10[%sub3A_223] : memref<2x!tpu.dma_semaphore, #tpu.memory_space<semaphore_mem>> -> memref<1x!tpu.dma_semaphore, #tpu.memory_space<semaphore_mem>>
      %dma_wait3A_236 = tpu.memref_squeeze %dma_wait3A_235 : memref<1x!tpu.dma_semaphore, #tpu.memory_space<semaphore_mem>> -> memref<!tpu.dma_semaphore, #tpu.memory_space<semaphore_mem>>
      %dma_wait3A_237 = arith.constant 0 : i32
      %dma_wait3A_238 = tpu.memref_slice %arg7[%mul3A_227, %dma_wait3A_234, %dma_wait3A_237] : memref<10001x2x128xf32, #tpu.memory_space<any>> -> memref<1024x1x128xf32, #tpu.memory_space<any>>
      %dma_wait3A_239 = tpu.memref_squeeze %dma_wait3A_238 : memref<1024x1x128xf32, #tpu.memory_space<any>> -> memref<1024x128xf32, #tpu.memory_space<any>>
      %dma_wait3A_240 = arith.constant 0 : i32
      %dma_wait3A_241 = arith.constant 0 : i32
      %dma_wait3A_242 = tpu.memref_slice %arg8[%sub3A_223, %dma_wait3A, %dma_wait3A_240, %dma_wait3A_241] : memref<2x2x1024x256xf32, #tpu.memory_space<vmem>> -> memref<1x1x1024x256xf32, #tpu.memory_space<vmem>>
      %dma_wait3A_243 = tpu.memref_squeeze %dma_wait3A_242 : memref<1x1x1024x256xf32, #tpu.memory_space<vmem>> -> memref<1024x256xf32, #tpu.memory_space<vmem>>
      %dma_wait3A_244 = arith.constant 0 : i32
      %dma_wait3A_245 = arith.constant 0 : i32
      %dma_wait3A_246 = tpu.memref_slice %dma_wait3A_243[%dma_wait3A_244, %dma_wait3A_245] : memref<1024x256xf32, #tpu.memory_space<vmem>> -> memref<1024x128xf32, #tpu.memory_space<vmem>>
      tpu.wait_dma2 semaphore(%dma_wait3A_236 : memref<!tpu.dma_semaphore, #tpu.memory_space<semaphore_mem>>) src(%dma_wait3A_246 : memref<1024x128xf32, #tpu.memory_space<vmem>>) dst(%dma_wait3A_239 : memref<1024x128xf32, #tpu.memory_space<any>>)
      %dma_wait3A_247 = arith.constant 0 : i32
      %dma_wait3A_248 = arith.constant 0 : i32
      %dma_wait3A_249 = tpu.memref_slice %arg10[%sub3A_223] : memref<2x!tpu.dma_semaphore, #tpu.memory_space<semaphore_mem>> -> memref<1x!tpu.dma_semaphore, #tpu.memory_space<semaphore_mem>>
      %dma_wait3A_250 = tpu.memref_squeeze %dma_wait3A_249 : memref<1x!tpu.dma_semaphore, #tpu.memory_space<semaphore_mem>> -> memref<!tpu.dma_semaphore, #tpu.memory_space<semaphore_mem>>
      %dma_wait3A_251 = arith.constant 0 : i32
      %dma_wait3A_252 = tpu.memref_slice %arg6[%mul3A_229, %dma_wait3A_248, %dma_wait3A_251] : memref<10001x2x128xf32, #tpu.memory_space<any>> -> memref<1024x1x128xf32, #tpu.memory_space<any>>
      %dma_wait3A_253 = tpu.memref_squeeze %dma_wait3A_252 : memref<1024x1x128xf32, #tpu.memory_space<any>> -> memref<1024x128xf32, #tpu.memory_space<any>>
      %dma_wait3A_254 = arith.constant 0 : i32
      %dma_wait3A_255 = arith.constant 0 : i32
      %dma_wait3A_256 = tpu.memref_slice %arg8[%sub3A_223, %dma_wait3A_247, %dma_wait3A_254, %dma_wait3A_255] : memref<2x2x1024x256xf32, #tpu.memory_space<vmem>> -> memref<1x1x1024x256xf32, #tpu.memory_space<vmem>>
      %dma_wait3A_257 = tpu.memref_squeeze %dma_wait3A_256 : memref<1x1x1024x256xf32, #tpu.memory_space<vmem>> -> memref<1024x256xf32, #tpu.memory_space<vmem>>
      %dma_wait3A_258 = arith.constant 0 : i32
      %dma_wait3A_259 = arith.constant 128 : i32
      %dma_wait3A_260 = tpu.memref_slice %dma_wait3A_257[%dma_wait3A_258, %dma_wait3A_259] : memref<1024x256xf32, #tpu.memory_space<vmem>> -> memref<1024x128xf32, #tpu.memory_space<vmem>>
      tpu.wait_dma2 semaphore(%dma_wait3A_250 : memref<!tpu.dma_semaphore, #tpu.memory_space<semaphore_mem>>) src(%dma_wait3A_260 : memref<1024x128xf32, #tpu.memory_space<vmem>>) dst(%dma_wait3A_253 : memref<1024x128xf32, #tpu.memory_space<any>>)
      %dma_wait3A_261 = arith.constant 1 : i32
      %dma_wait3A_262 = arith.constant 1 : i32
      %dma_wait3A_263 = tpu.memref_slice %arg10[%sub3A_223] : memref<2x!tpu.dma_semaphore, #tpu.memory_space<semaphore_mem>> -> memref<1x!tpu.dma_semaphore, #tpu.memory_space<semaphore_mem>>
      %dma_wait3A_264 = tpu.memref_squeeze %dma_wait3A_263 : memref<1x!tpu.dma_semaphore, #tpu.memory_space<semaphore_mem>> -> memref<!tpu.dma_semaphore, #tpu.memory_space<semaphore_mem>>
      %dma_wait3A_265 = arith.constant 0 : i32
      %dma_wait3A_266 = tpu.memref_slice %arg7[%mul3A_231, %dma_wait3A_262, %dma_wait3A_265] : memref<10001x2x128xf32, #tpu.memory_space<any>> -> memref<1024x1x128xf32, #tpu.memory_space<any>>
      %dma_wait3A_267 = tpu.memref_squeeze %dma_wait3A_266 : memref<1024x1x128xf32, #tpu.memory_space<any>> -> memref<1024x128xf32, #tpu.memory_space<any>>
      %dma_wait3A_268 = arith.constant 0 : i32
      %dma_wait3A_269 = arith.constant 0 : i32
      %dma_wait3A_270 = tpu.memref_slice %arg8[%sub3A_223, %dma_wait3A_261, %dma_wait3A_268, %dma_wait3A_269] : memref<2x2x1024x256xf32, #tpu.memory_space<vmem>> -> memref<1x1x1024x256xf32, #tpu.memory_space<vmem>>
      %dma_wait3A_271 = tpu.memref_squeeze %dma_wait3A_270 : memref<1x1x1024x256xf32, #tpu.memory_space<vmem>> -> memref<1024x256xf32, #tpu.memory_space<vmem>>
      %dma_wait3A_272 = arith.constant 0 : i32
      %dma_wait3A_273 = arith.constant 0 : i32
      %dma_wait3A_274 = tpu.memref_slice %dma_wait3A_271[%dma_wait3A_272, %dma_wait3A_273] : memref<1024x256xf32, #tpu.memory_space<vmem>> -> memref<1024x128xf32, #tpu.memory_space<vmem>>
      tpu.wait_dma2 semaphore(%dma_wait3A_264 : memref<!tpu.dma_semaphore, #tpu.memory_space<semaphore_mem>>) src(%dma_wait3A_274 : memref<1024x128xf32, #tpu.memory_space<vmem>>) dst(%dma_wait3A_267 : memref<1024x128xf32, #tpu.memory_space<any>>)
      %dma_wait3A_275 = arith.constant 1 : i32
      %dma_wait3A_276 = arith.constant 1 : i32
      %dma_wait3A_277 = tpu.memref_slice %arg10[%sub3A_223] : memref<2x!tpu.dma_semaphore, #tpu.memory_space<semaphore_mem>> -> memref<1x!tpu.dma_semaphore, #tpu.memory_space<semaphore_mem>>
      %dma_wait3A_278 = tpu.memref_squeeze %dma_wait3A_277 : memref<1x!tpu.dma_semaphore, #tpu.memory_space<semaphore_mem>> -> memref<!tpu.dma_semaphore, #tpu.memory_space<semaphore_mem>>
      %dma_wait3A_279 = arith.constant 0 : i32
      %dma_wait3A_280 = tpu.memref_slice %arg6[%mul3A_233, %dma_wait3A_276, %dma_wait3A_279] : memref<10001x2x128xf32, #tpu.memory_space<any>> -> memref<1024x1x128xf32, #tpu.memory_space<any>>
      %dma_wait3A_281 = tpu.memref_squeeze %dma_wait3A_280 : memref<1024x1x128xf32, #tpu.memory_space<any>> -> memref<1024x128xf32, #tpu.memory_space<any>>
      %dma_wait3A_282 = arith.constant 0 : i32
      %dma_wait3A_283 = arith.constant 0 : i32
      %dma_wait3A_284 = tpu.memref_slice %arg8[%sub3A_223, %dma_wait3A_275, %dma_wait3A_282, %dma_wait3A_283] : memref<2x2x1024x256xf32, #tpu.memory_space<vmem>> -> memref<1x1x1024x256xf32, #tpu.memory_space<vmem>>
      %dma_wait3A_285 = tpu.memref_squeeze %dma_wait3A_284 : memref<1x1x1024x256xf32, #tpu.memory_space<vmem>> -> memref<1024x256xf32, #tpu.memory_space<vmem>>
      %dma_wait3A_286 = arith.constant 0 : i32
      %dma_wait3A_287 = arith.constant 128 : i32
      %dma_wait3A_288 = tpu.memref_slice %dma_wait3A_285[%dma_wait3A_286, %dma_wait3A_287] : memref<1024x256xf32, #tpu.memory_space<vmem>> -> memref<1024x128xf32, #tpu.memory_space<vmem>>
      tpu.wait_dma2 semaphore(%dma_wait3A_278 : memref<!tpu.dma_semaphore, #tpu.memory_space<semaphore_mem>>) src(%dma_wait3A_288 : memref<1024x128xf32, #tpu.memory_space<vmem>>) dst(%dma_wait3A_281 : memref<1024x128xf32, #tpu.memory_space<any>>)
      %dma_wait3A_289 = arith.constant 0 : i32
      %dma_wait3A_290 = arith.constant 0 : i32
      %dma_wait3A_291 = tpu.memref_slice %arg10[%rem3A_0] : memref<2x!tpu.dma_semaphore, #tpu.memory_space<semaphore_mem>> -> memref<1x!tpu.dma_semaphore, #tpu.memory_space<semaphore_mem>>
      %dma_wait3A_292 = tpu.memref_squeeze %dma_wait3A_291 : memref<1x!tpu.dma_semaphore, #tpu.memory_space<semaphore_mem>> -> memref<!tpu.dma_semaphore, #tpu.memory_space<semaphore_mem>>
      %dma_wait3A_293 = arith.constant 0 : i32
      %dma_wait3A_294 = tpu.memref_slice %arg7[%mul3A_116, %dma_wait3A_290, %dma_wait3A_293] : memref<10001x2x128xf32, #tpu.memory_space<any>> -> memref<784x1x128xf32, #tpu.memory_space<any>>
      %dma_wait3A_295 = tpu.memref_squeeze %dma_wait3A_294 : memref<784x1x128xf32, #tpu.memory_space<any>> -> memref<784x128xf32, #tpu.memory_space<any>>
      %dma_wait3A_296 = arith.constant 0 : i32
      %dma_wait3A_297 = arith.constant 0 : i32
      %dma_wait3A_298 = tpu.memref_slice %arg8[%rem3A_0, %dma_wait3A_289, %dma_wait3A_296, %dma_wait3A_297] : memref<2x2x1024x256xf32, #tpu.memory_space<vmem>> -> memref<1x1x784x256xf32, #tpu.memory_space<vmem>>
      %dma_wait3A_299 = tpu.memref_squeeze %dma_wait3A_298 : memref<1x1x784x256xf32, #tpu.memory_space<vmem>> -> memref<784x256xf32, #tpu.memory_space<vmem>>
      %dma_wait3A_300 = arith.constant 0 : i32
      %dma_wait3A_301 = arith.constant 0 : i32
      %dma_wait3A_302 = tpu.memref_slice %dma_wait3A_299[%dma_wait3A_300, %dma_wait3A_301] : memref<784x256xf32, #tpu.memory_space<vmem>> -> memref<784x128xf32, #tpu.memory_space<vmem>>
      tpu.wait_dma2 semaphore(%dma_wait3A_292 : memref<!tpu.dma_semaphore, #tpu.memory_space<semaphore_mem>>) src(%dma_wait3A_302 : memref<784x128xf32, #tpu.memory_space<vmem>>) dst(%dma_wait3A_295 : memref<784x128xf32, #tpu.memory_space<any>>)
      %dma_wait3A_303 = arith.constant 0 : i32
      %dma_wait3A_304 = arith.constant 0 : i32
      %dma_wait3A_305 = tpu.memref_slice %arg10[%rem3A_0] : memref<2x!tpu.dma_semaphore, #tpu.memory_space<semaphore_mem>> -> memref<1x!tpu.dma_semaphore, #tpu.memory_space<semaphore_mem>>
      %dma_wait3A_306 = tpu.memref_squeeze %dma_wait3A_305 : memref<1x!tpu.dma_semaphore, #tpu.memory_space<semaphore_mem>> -> memref<!tpu.dma_semaphore, #tpu.memory_space<semaphore_mem>>
      %dma_wait3A_307 = arith.constant 0 : i32
      %dma_wait3A_308 = tpu.memref_slice %arg6[%mul3A_118, %dma_wait3A_304, %dma_wait3A_307] : memref<10001x2x128xf32, #tpu.memory_space<any>> -> memref<784x1x128xf32, #tpu.memory_space<any>>
      %dma_wait3A_309 = tpu.memref_squeeze %dma_wait3A_308 : memref<784x1x128xf32, #tpu.memory_space<any>> -> memref<784x128xf32, #tpu.memory_space<any>>
      %dma_wait3A_310 = arith.constant 0 : i32
      %dma_wait3A_311 = arith.constant 0 : i32
      %dma_wait3A_312 = tpu.memref_slice %arg8[%rem3A_0, %dma_wait3A_303, %dma_wait3A_310, %dma_wait3A_311] : memref<2x2x1024x256xf32, #tpu.memory_space<vmem>> -> memref<1x1x784x256xf32, #tpu.memory_space<vmem>>
      %dma_wait3A_313 = tpu.memref_squeeze %dma_wait3A_312 : memref<1x1x784x256xf32, #tpu.memory_space<vmem>> -> memref<784x256xf32, #tpu.memory_space<vmem>>
      %dma_wait3A_314 = arith.constant 0 : i32
      %dma_wait3A_315 = arith.constant 128 : i32
      %dma_wait3A_316 = tpu.memref_slice %dma_wait3A_313[%dma_wait3A_314, %dma_wait3A_315] : memref<784x256xf32, #tpu.memory_space<vmem>> -> memref<784x128xf32, #tpu.memory_space<vmem>>
      tpu.wait_dma2 semaphore(%dma_wait3A_306 : memref<!tpu.dma_semaphore, #tpu.memory_space<semaphore_mem>>) src(%dma_wait3A_316 : memref<784x128xf32, #tpu.memory_space<vmem>>) dst(%dma_wait3A_309 : memref<784x128xf32, #tpu.memory_space<any>>)
      %dma_wait3A_317 = arith.constant 1 : i32
      %dma_wait3A_318 = arith.constant 1 : i32
      %dma_wait3A_319 = tpu.memref_slice %arg10[%rem3A_0] : memref<2x!tpu.dma_semaphore, #tpu.memory_space<semaphore_mem>> -> memref<1x!tpu.dma_semaphore, #tpu.memory_space<semaphore_mem>>
      %dma_wait3A_320 = tpu.memref_squeeze %dma_wait3A_319 : memref<1x!tpu.dma_semaphore, #tpu.memory_space<semaphore_mem>> -> memref<!tpu.dma_semaphore, #tpu.memory_space<semaphore_mem>>
      %dma_wait3A_321 = arith.constant 0 : i32
      %dma_wait3A_322 = tpu.memref_slice %arg7[%mul3A_120, %dma_wait3A_318, %dma_wait3A_321] : memref<10001x2x128xf32, #tpu.memory_space<any>> -> memref<784x1x128xf32, #tpu.memory_space<any>>
      %dma_wait3A_323 = tpu.memref_squeeze %dma_wait3A_322 : memref<784x1x128xf32, #tpu.memory_space<any>> -> memref<784x128xf32, #tpu.memory_space<any>>
      %dma_wait3A_324 = arith.constant 0 : i32
      %dma_wait3A_325 = arith.constant 0 : i32
      %dma_wait3A_326 = tpu.memref_slice %arg8[%rem3A_0, %dma_wait3A_317, %dma_wait3A_324, %dma_wait3A_325] : memref<2x2x1024x256xf32, #tpu.memory_space<vmem>> -> memref<1x1x784x256xf32, #tpu.memory_space<vmem>>
      %dma_wait3A_327 = tpu.memref_squeeze %dma_wait3A_326 : memref<1x1x784x256xf32, #tpu.memory_space<vmem>> -> memref<784x256xf32, #tpu.memory_space<vmem>>
      %dma_wait3A_328 = arith.constant 0 : i32
      %dma_wait3A_329 = arith.constant 0 : i32
      %dma_wait3A_330 = tpu.memref_slice %dma_wait3A_327[%dma_wait3A_328, %dma_wait3A_329] : memref<784x256xf32, #tpu.memory_space<vmem>> -> memref<784x128xf32, #tpu.memory_space<vmem>>
      tpu.wait_dma2 semaphore(%dma_wait3A_320 : memref<!tpu.dma_semaphore, #tpu.memory_space<semaphore_mem>>) src(%dma_wait3A_330 : memref<784x128xf32, #tpu.memory_space<vmem>>) dst(%dma_wait3A_323 : memref<784x128xf32, #tpu.memory_space<any>>)
      %dma_wait3A_331 = arith.constant 1 : i32
      %dma_wait3A_332 = arith.constant 1 : i32
      %dma_wait3A_333 = tpu.memref_slice %arg10[%rem3A_0] : memref<2x!tpu.dma_semaphore, #tpu.memory_space<semaphore_mem>> -> memref<1x!tpu.dma_semaphore, #tpu.memory_space<semaphore_mem>>
      %dma_wait3A_334 = tpu.memref_squeeze %dma_wait3A_333 : memref<1x!tpu.dma_semaphore, #tpu.memory_space<semaphore_mem>> -> memref<!tpu.dma_semaphore, #tpu.memory_space<semaphore_mem>>
      %dma_wait3A_335 = arith.constant 0 : i32
      %dma_wait3A_336 = tpu.memref_slice %arg6[%mul3A_122, %dma_wait3A_332, %dma_wait3A_335] : memref<10001x2x128xf32, #tpu.memory_space<any>> -> memref<784x1x128xf32, #tpu.memory_space<any>>
      %dma_wait3A_337 = tpu.memref_squeeze %dma_wait3A_336 : memref<784x1x128xf32, #tpu.memory_space<any>> -> memref<784x128xf32, #tpu.memory_space<any>>
      %dma_wait3A_338 = arith.constant 0 : i32
      %dma_wait3A_339 = arith.constant 0 : i32
      %dma_wait3A_340 = tpu.memref_slice %arg8[%rem3A_0, %dma_wait3A_331, %dma_wait3A_338, %dma_wait3A_339] : memref<2x2x1024x256xf32, #tpu.memory_space<vmem>> -> memref<1x1x784x256xf32, #tpu.memory_space<vmem>>
      %dma_wait3A_341 = tpu.memref_squeeze %dma_wait3A_340 : memref<1x1x784x256xf32, #tpu.memory_space<vmem>> -> memref<784x256xf32, #tpu.memory_space<vmem>>
      %dma_wait3A_342 = arith.constant 0 : i32
      %dma_wait3A_343 = arith.constant 128 : i32
      %dma_wait3A_344 = tpu.memref_slice %dma_wait3A_341[%dma_wait3A_342, %dma_wait3A_343] : memref<784x256xf32, #tpu.memory_space<vmem>> -> memref<784x128xf32, #tpu.memory_space<vmem>>
      tpu.wait_dma2 semaphore(%dma_wait3A_334 : memref<!tpu.dma_semaphore, #tpu.memory_space<semaphore_mem>>) src(%dma_wait3A_344 : memref<784x128xf32, #tpu.memory_space<vmem>>) dst(%dma_wait3A_337 : memref<784x128xf32, #tpu.memory_space<any>>)
      %dma_wait3A_345 = arith.constant 0 : i32
      %dma_wait3A_346 = arith.constant 0 : i32
      %dma_wait3A_347 = tpu.memref_slice %arg10[%rem3A_0] : memref<2x!tpu.dma_semaphore, #tpu.memory_space<semaphore_mem>> -> memref<1x!tpu.dma_semaphore, #tpu.memory_space<semaphore_mem>>
      %dma_wait3A_348 = tpu.memref_squeeze %dma_wait3A_347 : memref<1x!tpu.dma_semaphore, #tpu.memory_space<semaphore_mem>> -> memref<!tpu.dma_semaphore, #tpu.memory_space<semaphore_mem>>
      %dma_wait3A_349 = arith.constant 0 : i32
      %dma_wait3A_350 = tpu.memref_slice %arg7[%sub3A_114, %dma_wait3A_346, %dma_wait3A_349] : memref<10001x2x128xf32, #tpu.memory_space<any>> -> memref<1x1x128xf32, #tpu.memory_space<any>>
      %dma_wait3A_351 = tpu.memref_squeeze %dma_wait3A_350 : memref<1x1x128xf32, #tpu.memory_space<any>> -> memref<1x128xf32, #tpu.memory_space<any>>
      %dma_wait3A_352 = arith.constant 0 : i32
      %dma_wait3A_353 = arith.constant 0 : i32
      %dma_wait3A_354 = tpu.memref_slice %arg9[%dma_wait3A_345, %dma_wait3A_352, %dma_wait3A_353] : memref<2x1x256xf32, #tpu.memory_space<vmem>> -> memref<1x1x128xf32, #tpu.memory_space<vmem>>
      %dma_wait3A_355 = tpu.memref_squeeze %dma_wait3A_354 : memref<1x1x128xf32, #tpu.memory_space<vmem>> -> memref<1x128xf32, #tpu.memory_space<vmem>>
      tpu.wait_dma2 semaphore(%dma_wait3A_348 : memref<!tpu.dma_semaphore, #tpu.memory_space<semaphore_mem>>) src(%dma_wait3A_355 : memref<1x128xf32, #tpu.memory_space<vmem>>) dst(%dma_wait3A_351 : memref<1x128xf32, #tpu.memory_space<any>>)
      %dma_wait3A_356 = arith.constant 0 : i32
      %dma_wait3A_357 = arith.constant 0 : i32
      %dma_wait3A_358 = tpu.memref_slice %arg10[%rem3A_0] : memref<2x!tpu.dma_semaphore, #tpu.memory_space<semaphore_mem>> -> memref<1x!tpu.dma_semaphore, #tpu.memory_space<semaphore_mem>>
      %dma_wait3A_359 = tpu.memref_squeeze %dma_wait3A_358 : memref<1x!tpu.dma_semaphore, #tpu.memory_space<semaphore_mem>> -> memref<!tpu.dma_semaphore, #tpu.memory_space<semaphore_mem>>
      %dma_wait3A_360 = arith.constant 0 : i32
      %dma_wait3A_361 = tpu.memref_slice %arg6[%sub3A_114, %dma_wait3A_357, %dma_wait3A_360] : memref<10001x2x128xf32, #tpu.memory_space<any>> -> memref<1x1x128xf32, #tpu.memory_space<any>>
      %dma_wait3A_362 = tpu.memref_squeeze %dma_wait3A_361 : memref<1x1x128xf32, #tpu.memory_space<any>> -> memref<1x128xf32, #tpu.memory_space<any>>
      %dma_wait3A_363 = arith.constant 0 : i32
      %dma_wait3A_364 = arith.constant 128 : i32
      %dma_wait3A_365 = tpu.memref_slice %arg9[%dma_wait3A_356, %dma_wait3A_363, %dma_wait3A_364] : memref<2x1x256xf32, #tpu.memory_space<vmem>> -> memref<1x1x128xf32, #tpu.memory_space<vmem>>
      %dma_wait3A_366 = tpu.memref_squeeze %dma_wait3A_365 : memref<1x1x128xf32, #tpu.memory_space<vmem>> -> memref<1x128xf32, #tpu.memory_space<vmem>>
      tpu.wait_dma2 semaphore(%dma_wait3A_359 : memref<!tpu.dma_semaphore, #tpu.memory_space<semaphore_mem>>) src(%dma_wait3A_366 : memref<1x128xf32, #tpu.memory_space<vmem>>) dst(%dma_wait3A_362 : memref<1x128xf32, #tpu.memory_space<any>>)
      %dma_wait3A_367 = arith.constant 1 : i32
      %dma_wait3A_368 = arith.constant 1 : i32
      %dma_wait3A_369 = tpu.memref_slice %arg10[%rem3A_0] : memref<2x!tpu.dma_semaphore, #tpu.memory_space<semaphore_mem>> -> memref<1x!tpu.dma_semaphore, #tpu.memory_space<semaphore_mem>>
      %dma_wait3A_370 = tpu.memref_squeeze %dma_wait3A_369 : memref<1x!tpu.dma_semaphore, #tpu.memory_space<semaphore_mem>> -> memref<!tpu.dma_semaphore, #tpu.memory_space<semaphore_mem>>
      %dma_wait3A_371 = arith.constant 0 : i32
      %dma_wait3A_372 = tpu.memref_slice %arg7[%sub3A_114, %dma_wait3A_368, %dma_wait3A_371] : memref<10001x2x128xf32, #tpu.memory_space<any>> -> memref<1x1x128xf32, #tpu.memory_space<any>>
      %dma_wait3A_373 = tpu.memref_squeeze %dma_wait3A_372 : memref<1x1x128xf32, #tpu.memory_space<any>> -> memref<1x128xf32, #tpu.memory_space<any>>
      %dma_wait3A_374 = arith.constant 0 : i32
      %dma_wait3A_375 = arith.constant 0 : i32
      %dma_wait3A_376 = tpu.memref_slice %arg9[%dma_wait3A_367, %dma_wait3A_374, %dma_wait3A_375] : memref<2x1x256xf32, #tpu.memory_space<vmem>> -> memref<1x1x128xf32, #tpu.memory_space<vmem>>
      %dma_wait3A_377 = tpu.memref_squeeze %dma_wait3A_376 : memref<1x1x128xf32, #tpu.memory_space<vmem>> -> memref<1x128xf32, #tpu.memory_space<vmem>>
      tpu.wait_dma2 semaphore(%dma_wait3A_370 : memref<!tpu.dma_semaphore, #tpu.memory_space<semaphore_mem>>) src(%dma_wait3A_377 : memref<1x128xf32, #tpu.memory_space<vmem>>) dst(%dma_wait3A_373 : memref<1x128xf32, #tpu.memory_space<any>>)
      %dma_wait3A_378 = arith.constant 1 : i32
      %dma_wait3A_379 = arith.constant 1 : i32
      %dma_wait3A_380 = tpu.memref_slice %arg10[%rem3A_0] : memref<2x!tpu.dma_semaphore, #tpu.memory_space<semaphore_mem>> -> memref<1x!tpu.dma_semaphore, #tpu.memory_space<semaphore_mem>>
      %dma_wait3A_381 = tpu.memref_squeeze %dma_wait3A_380 : memref<1x!tpu.dma_semaphore, #tpu.memory_space<semaphore_mem>> -> memref<!tpu.dma_semaphore, #tpu.memory_space<semaphore_mem>>
      %dma_wait3A_382 = arith.constant 0 : i32
      %dma_wait3A_383 = tpu.memref_slice %arg6[%sub3A_114, %dma_wait3A_379, %dma_wait3A_382] : memref<10001x2x128xf32, #tpu.memory_space<any>> -> memref<1x1x128xf32, #tpu.memory_space<any>>
      %dma_wait3A_384 = tpu.memref_squeeze %dma_wait3A_383 : memref<1x1x128xf32, #tpu.memory_space<any>> -> memref<1x128xf32, #tpu.memory_space<any>>
      %dma_wait3A_385 = arith.constant 0 : i32
      %dma_wait3A_386 = arith.constant 128 : i32
      %dma_wait3A_387 = tpu.memref_slice %arg9[%dma_wait3A_378, %dma_wait3A_385, %dma_wait3A_386] : memref<2x1x256xf32, #tpu.memory_space<vmem>> -> memref<1x1x128xf32, #tpu.memory_space<vmem>>
      %dma_wait3A_388 = tpu.memref_squeeze %dma_wait3A_387 : memref<1x1x128xf32, #tpu.memory_space<vmem>> -> memref<1x128xf32, #tpu.memory_space<vmem>>
      tpu.wait_dma2 semaphore(%dma_wait3A_381 : memref<!tpu.dma_semaphore, #tpu.memory_space<semaphore_mem>>) src(%dma_wait3A_388 : memref<1x128xf32, #tpu.memory_space<vmem>>) dst(%dma_wait3A_384 : memref<1x128xf32, #tpu.memory_space<any>>)
    } else {
    }
    return
  }
  func.func @transform_0(%arg0: i32) -> (i32, i32, i32) {
    %c0_i32 = arith.constant 0 : i32
    %c0_i32_0 = arith.constant 0 : i32
    %c0_i32_1 = arith.constant 0 : i32
    return %c0_i32, %c0_i32_0, %arg0 : i32, i32, i32
  }
  func.func @transform_1(%arg0: i32) -> (i32, i32) {
    %c0_i32 = arith.constant 0 : i32
    %c0_i32_0 = arith.constant 0 : i32
    %c0_i32_1 = arith.constant 0 : i32
    return %c0_i32, %c0_i32_0 : i32, i32
  }
  func.func @transform_2(%arg0: i32) -> (i32, i32) {
    %c0_i32 = arith.constant 0 : i32
    %c0_i32_0 = arith.constant 0 : i32
    %c0_i32_1 = arith.constant 0 : i32
    return %c0_i32, %c0_i32_0 : i32, i32
  }
  func.func @transform_3(%arg0: i32) -> (i32, i32) {
    %c0_i32 = arith.constant 0 : i32
    %c0_i32_0 = arith.constant 0 : i32
    %c0_i32_1 = arith.constant 0 : i32
    return %c0_i32, %c0_i32_0 : i32, i32
  }
  func.func @transform_4(%arg0: i32) -> (i32, i32) {
    %c0_i32 = arith.constant 0 : i32
    %c0_i32_0 = arith.constant 0 : i32
    %c0_i32_1 = arith.constant 0 : i32
    return %c0_i32, %c0_i32_0 : i32, i32
  }
}

</mosaic_0001>

<sc_bundles>
// kernel: kernel.4.cloned.1.call-start
scs
__scs_entry_jumppad:
0x0: {  	(pc) =	sbr.rel $0x88, $3  }
0x1: {  	(tag) =	ssettag $0x0;
	lr =	simm.s32 $0x1  }
0x2: {  	[smem:$0x3F9A] =	sst lr;
	_ =	strace $0xD0000000  }
0x3: {  	_ = 	snop  }
0x4: {  	_ = 	snop  }
0x5: {  	_ = 	snop  }
0x6: {  	_ = 	snop  }
0x7: {  	_ = 	snop  }
__scs_overlays_trampoline_lowered:
0x8: {  	[smem:$0x3FA9] =	sst s0  }
0x9: {  	[smem:$0x3FAA] =	sst s1  }
0xa: {  	[smem:$0x3FAB] =	sst s2  }
0xb: {  	[smem:$0x3FAC] =	sst s3  }
0xc: {  	[smem:$0x3FAD] =	sst s4  }
0xd: {  	[smem:$0x3FAE] =	sst s5  }
0xe: {  	[smem:$0x3FAF] =	sst s6  }
0xf: {  	[smem:$0x3FB0] =	sst s7  }
0x10: {  	[smem:$0x3FB1] =	sst s8  }
0x11: {  	[smem:$0x3FB2] =	sst s9;
	s0 =	simm.s32 @!p0 $0x0  }
0x12: {  	s1 =	sld [smem:$0x3F98];
	s0 =	simm.s32 @p0 $0x1  }
0x13: {  	[smem:$0x3FB3] =	sst s0;
	s0 =	simm.s32 @!p1 $0x0  }
0x14: {  	s2 =	sld [smem:$0x3F97];
	s0 =	simm.s32 @p1 $0x1  }
0x15: {  	[smem:$0x3FB4] =	sst s0;
	s0 =	simm.s32 @!p2 $0x0  }
0x16: {  	s3 =	sld [smem:$0x3FDB];
	s0 =	simm.s32 @p2 $0x1  }
0x17: {  	s4 =	simm.s32 $0x1BF5;
	[smem:$0x3FB6] =	sst s0  }
0x18: {  	s0 =	sld [smem:$0x3F99];
	_ =	swait.ge [sflag:s4], $0x0  }
0x19: {  	s7 =	sld [smem:$0x3F9A]  }
0x1a: {  	s8 =	sadd.s32 $0xFFFFE003, lr  }
0x1b: {  	s9 =	sadd.s32 $0xFFFFFEF7, lr;
	s5 =	simm.s32 $0xFFFFFFFF;
	p2 =	slt.u32 s8, $0xFFFFF086  }
0x1c: {  	p1 =	slt.u32 s9, $0xF7A;
	s5 =	simm.s32 @!p2 $0x0  }
0x1d: {  	s5 =	simm.s32 @p1 $0x1;
	p0 =	seq.s32 s7, s2  }
0x1e: {  	s7 =	smul.u32 @!p0 $0xF7A, s2;
	p2 =	seq.s32 @!p0 s5, $0x0  }
0x1f: {  	s9 =	smul.u32 $0xF7A, s1;
	s8 =	simm.s32 @!p0 $0x1BF5;
	p2 =	por !p2, p0  }
0x20: {  	[sflag:s8] =	ssyncset.s32 @!p0 $0xFFFFF086;
	s6 =	sadd.s32 @!p0 s3, s7;
	s7 =	simm.s32 @!p0 $0x108  }
0x21: {  	s3 =	sadd.s32 s3, s9;
	s6 =	sadd.s32 @!p0 $0x88, s6;
	s7 =	simm.s32 @p2 $0x1082  }
0x22: {  	[simem:s7], [sflag:s8] =	dma.local @!p0 [hbm:s6], $0xF7A  }
0x23: {  	s9 =	sor.u32 $0xD0000000, s2;
	s6 =	simm.s32 $0x108;
	_ =	swait.ge @!p0 [sflag:s8], $0x0  }
0x24: {  	s3 =	sadd.s32 $0x88, s3;
	s6 =	simm.s32 @!p1 $0x1082;
	[sflag:s4] =	ssyncset.s32 $0xFFFFF086  }
0x25: {  	[simem:s6], [sflag:s4] =	dma.local [hbm:s3], $0xF7A  }
0x26: {  	[smem:$0x3F9A] =	sst s1;
	(tag) =	ssettag s2;
	_ =	strace s9  }
0x27: {  	s1 =	sld [smem:$0x3FAA]  }
0x28: {  	s2 =	sld [smem:$0x3FAB]  }
0x29: {  	s4 =	sld [smem:$0x3FAD]  }
0x2a: {  	p0 =	seq.s32 s5, $0x0;
	s5 =	sld [smem:$0x3FAE]  }
0x2b: {  	s6 =	sld [smem:$0x3FAF]  }
0x2c: {  	s7 =	sld [smem:$0x3FB0]  }
0x2d: {  	s3 =	simm.s32 $0x108;
	s8 =	sld [smem:$0x3FB1]  }
0x2e: {  	s3 =	simm.s32 @!p0 $0x1082;
	s9 =	sld [smem:$0x3FB2]  }
0x2f: {  	lr =	sadd.s32 s0, s3;
	s0 =	sld [smem:$0x3FA9]  }
0x30: {  	s3 =	sld [smem:$0x3FAC]  }
0x31: {  	[smem:$0x3FB5] =	sst s10  }
0x32: {  	s10 =	sld [smem:$0x3FB3];
	_ =	sdelay $0x3  }
0x33: {  	p0 =	seq.s32 s10, $0x1;
	s10 =	sld [smem:$0x3FB5];
	_ =	sdelay $0x3  }
0x34: {  	[smem:$0x3FB5] =	sst s10  }
0x35: {  	s10 =	sld [smem:$0x3FB4];
	_ =	sdelay $0x3  }
0x36: {  	p1 =	seq.s32 s10, $0x1;
	s10 =	sld [smem:$0x3FB5];
	_ =	sdelay $0x3  }
0x37: {  	[smem:$0x3FB5] =	sst s10  }
0x38: {  	s10 =	sld [smem:$0x3FB6]  }
0x39: {  	_ = 	snop;
	(pc) =	sbr.ind lr, $3  }
0x3a: {  	_ = 	snop  }
0x3b: {  	_ = 	snop  }
0x3c: {  	p2 =	seq.s32 s10, $0x1;
	s10 =	sld [smem:$0x3FB5]  }
0x3d: {  	_ =	shalt  }
0x3e: {  	_ =	shalt  }
0x3f: {  	_ =	shalt  }
0x40: {  	_ =	shalt  }
0x41: {  	_ =	shalt  }
0x42: {  	_ =	shalt  }
0x43: {  	_ =	shalt  }
0x44: {  	_ =	shalt  }
0x45: {  	_ =	shalt  }
0x46: {  	_ =	shalt  }
0x47: {  	_ =	shalt  }
0x48: {  	_ =	shalt  }
0x49: {  	_ =	shalt  }
0x4a: {  	_ =	shalt  }
0x4b: {  	_ =	shalt  }
0x4c: {  	_ =	shalt  }
0x4d: {  	_ =	shalt  }
0x4e: {  	_ =	shalt  }
0x4f: {  	_ =	shalt  }
0x50: {  	_ =	shalt  }
0x51: {  	_ =	shalt  }
0x52: {  	_ =	shalt  }
0x53: {  	_ =	shalt  }
0x54: {  	_ =	shalt  }
0x55: {  	_ =	shalt  }
0x56: {  	_ =	shalt  }
0x57: {  	_ =	shalt  }
0x58: {  	_ =	shalt  }
0x59: {  	_ =	shalt  }
0x5a: {  	_ =	shalt  }
0x5b: {  	_ =	shalt  }
0x5c: {  	_ =	shalt  }
0x5d: {  	_ =	shalt  }
0x5e: {  	_ =	shalt  }
0x5f: {  	_ =	shalt  }
0x60: {  	_ =	shalt  }
0x61: {  	_ =	shalt  }
0x62: {  	_ =	shalt  }
0x63: {  	_ =	shalt  }
0x64: {  	_ =	shalt  }
0x65: {  	_ =	shalt  }
0x66: {  	_ =	shalt  }
0x67: {  	_ =	shalt  }
0x68: {  	_ =	shalt  }
0x69: {  	_ =	shalt  }
0x6a: {  	_ =	shalt  }
0x6b: {  	_ =	shalt  }
0x6c: {  	_ =	shalt  }
0x6d: {  	_ =	shalt  }
0x6e: {  	_ =	shalt  }
0x6f: {  	_ =	shalt  }
0x70: {  	_ =	shalt  }
0x71: {  	_ =	shalt  }
0x72: {  	_ =	shalt  }
0x73: {  	_ =	shalt  }
0x74: {  	_ =	shalt  }
0x75: {  	_ =	shalt  }
0x76: {  	_ =	shalt  }
0x77: {  	_ =	shalt  }
0x78: {  	_ =	shalt  }
0x79: {  	_ =	shalt  }
0x7a: {  	_ =	shalt  }
0x7b: {  	_ =	shalt  }
0x7c: {  	_ =	shalt  }
0x7d: {  	_ =	shalt  }
0x7e: {  	_ =	shalt  }
0x7f: {  	_ =	shalt  }
0x80: {  	_ =	shalt  }
0x81: {  	_ =	shalt  }
0x82: {  	_ =	shalt  }
0x83: {  	_ =	shalt  }
0x84: {  	_ =	shalt  }
0x85: {  	_ =	shalt  }
0x86: {  	_ =	shalt  }
0x87: {  	_ =	shalt  }
.Lfunc_end0:
.L_simem_size_0:
called_computation_lowered:
.L_overlay_start_0:
0x88: {  	s2 =	sld [smem:$0x3FD9]  }
0x89: {  	s3 =	sld [smem:$0x3FFE];
	_ =	sdelay $0x1  }
0x8a: {  	s1 =	srdreg.scid  }
0x8b: {  	s0 =	sand.u32 $0x1, s1  }
0x8c: {  	s15 =	sshll.u32 s0, $0xA;
	s2 =	sadd.s32 s3, s2  }
0x8d: {  	s2 =	sadd.s32 s2, s15  }
0x8e: {  	[smem:$0x3FC1] =	sst s2  }
0x8f: {  	_ = 	snop  }
0x90: {  	s2 =	sld [smem:$0x3FD0];
	_ =	sdelay $0x1  }
0x91: {  	s16 =	sld [smem:$0x3FC9]  }
0x92: {  	s5 =	simm.s32 $0xA;
	s6 =	simm.s32 $0x10;
	s4 =	sld [smem:$0x3FC8]  }
0x93: {  	[smem:s6], [sflag:s5] =	dma.local [hbm:s2], $0x1  }
0x94: {  	_ =	swait.eq [sflag:s5], $0x1  }
0x95: {  	[sflag:s5] =	ssyncset.done $0x0  }
0x96: {  	[sflag:s5] =	ssyncadd.s32 $0xFFFFFFFF  }
0x97: {  	s17 =	sld [smem:$0x11];
	(tm) =	ssettm $0x1  }
0x98: {  	s18 =	sld [smem:$0x3FFB];
	_ =	sdelay $0x3  }
0x99: {  	_ =	strace s18  }
0x9a: {  	s5 =	sld [smem:$0x3FFC];
	_ =	sdelay $0x3  }
0x9b: {  	_ =	strace s5  }
0x9c: {  	s5 =	sld [smem:$0x3FFD];
	_ =	sdelay $0x3  }
0x9d: {  	_ =	strace s5  }
0x9e: {  	_ =	strace $0x8FFFFFFF  }
0x9f: {  	s19 =	sld [smem:$0x3FDB];
	_ =	sdelay $0x1  }
0xa0: {  	s20 =	simm.s32 $_scs_section_size  }
0xa1: {  	s7 =	simm.s32 $_size__tile_overlayer_lowered;
	s8 =	simm.s32 $_tile_overlayer_lowered  }
0xa2: {  	s23 =	simm.s32 $0x1BFF;
	s22 =	sshll.u32 s8, $0x1;
	s5 =	sadd.s32 s20, s19  }
0xa3: {  	s9 =	simm.s32 $0x0;
	s21 =	sshll.u32 s7, $0x1;
	s7 =	sadd.s32 s22, s5  }
0xa4: {  	[timem:s9], [sflag:s23] =	dma.local [hbm:s7], s21  }
0xa5: {  	_ =	swait.ge [sflag:s23], s21  }
0xa6: {  	s6 =	ssub.s32 $0x0, s21;
	[sflag:s23] =	ssyncset.done $0x0  }
0xa7: {  	[sflag:s23] =	ssyncadd.s32 s6;
	_ =	sdelay $0x1  }
0xa8: {  	s24 =	simm.s32 $0x1B8B  }
0xa9: {  	_ =	swait.ge [sflag:s24], $0x1  }
0xaa: {  	[sflag:s24] =	ssyncset.done $0x0  }
0xab: {  	s25 =	simm.s32 $0x1B8E;
	[sflag:s24] =	ssyncadd.s32 $0xFFFFFFFF  }
0xac: {  	s26 =	simm.s32 $execute0_lowered;
	[smem:$0x3FD2] =	sst s25  }
0xad: {  	s6 =	sshll.u32 s26, $0x1;
	_ =	strace $0x80000046;
	[dreg:$0x1] =	wrdreg $0xFFFFFFFF  }
0xae: {  	s28 =	simm.s32 $_size_execute0_lowered;
	s5 =	sadd.s32 s5, s6;
	[dreg:$0x0] =	wrdreg $0x0  }
0xaf: {  	s6 =	sshll.u32 s28, $0x1;
	[dreg:$0x2] =	wrdreg s5  }
0xb0: {  	[dreg:$0x3] =	wrdreg s6  }
0xb1: {  	[dreg:$0x4] =	wrdreg $0xC0  }
0xb2: {  	_ =	task [dreg:s9], $0x5FFFF  }
0xb3: {  	[dreg:$0x1] =	wrdreg $0xFFFFFFFF  }
0xb4: {  	[dreg:$0x0] =	wrdreg $0x60  }
0xb5: {  	[dreg:$0x2] =	wrdreg s16  }
0xb6: {  	[dreg:$0x3] =	wrdreg s4  }
0xb7: {  	[dreg:$0x4] =	wrdreg s17  }
0xb8: {  	[dreg:$0x5] =	wrdreg $0xD3800  }
0xb9: {  	[dreg:$0x6] =	wrdreg $0x9  }
0xba: {  	_ =	task.clear_ibuf [dreg:s9], $0x7FFFF;
	_ =	strace $0x90000046  }
0xbb: {  	s29 =	simm.s32 $0x9;
	_ =	strace $0x80000048  }
0xbc: {  	_ =	swait.ge [sflag:s29], $0x1  }
0xbd: {  	[sflag:s29] =	ssyncadd.s32 $0xFFFFFFFF  }
0xbe: {  	_ =	strace $0x90000048  }
0xbf: {  	_ =	sfence  }
0xc0: {  	s30 =	sld [smem:$0x0];
	_ =	sdelay $0x2  }
0xc1: {  	s31 =	sshll.u32 s1, $0xD;
	s1 =	sshrl.u32 s1, $0x2  }
0xc2: {  	s3 =	sand.u32 $0x4000, s31;
	s1 =	sadd.s32 s1, s30  }
0xc3: {  	s0 =	sor.u32 s3, s0;
	s1 =	sshll.u32 s1, $0x11  }
0xc4: {  	s0 =	sor.u32 s1, s0  }
0xc5: {  	s0 =	sadd.s32 $0x8F2B, s0  }
0xc6: {  	[sflag:s0] =	ssyncadd.remote.s32 $0x1  }
0xc7: {  	_ =	sfence.sel $0xFFFF  }
0xc8: {  	[dreg:$0x0] =	wrdreg $0xFFFFFFFF;
	(pc) =	sbr.abs _section_cstart, $3  }
0xc9: {  	[dreg:$0x1] =	wrdreg $0xFFFFFFFF  }
0xca: {  	_ =	task.clear_ibuf [dreg:s9], $0x2FFFF;
	_ =	strace $0x9FFFFFFF  }
0xcb: {  	(tm) =	ssettm $0x7FFFFFFF  }
tec
execute0_lowered:
.L_overlay_start_1:
0x0: {  	(tag) =	ssettag $0x1  }
0x1: {  	s0 =	rddreg [dreg:$0x1]  }
0x2: {  	s1 =	rddreg [dreg:$0x2];
	s2 =	srdreg.scid  }
0x3: {  	s3 =	rddreg [dreg:$0x3];
	s4 =	simm.s32 $0x0;
	s17 =	simm.s32 $0x4  }
0x4: {  	s18 =	simm.s32 $0x1;
	s19 =	simm.s32 $0x6300;
	s20 =	simm.s32 $0x2  }
0x5: {  	s23 =	simm.s32 $0x7700;
	s29 =	simm.s32 $0xD100;
	s16 =	sand.u32 $0x1, s2  }
0x6: {  	s30 =	simm.s32 $0x3;
	s2 =	stileid.u32;
	s10 =	smul.u32 $0x4E200, s16  }
0x7: {  	s31 =	simm.s32 $0x20;
	[smem:$0x7FF] =	sst s4;
	s11 =	smul.u32 $0x5000, s2  }
0x8: {  	s6 =	ssub.s32 $0x2, s16;
	s5 =	smul.u32 $0x2800, s2;
	_ =	strace $0x80000047  }
0x9: {  	s26 =	sshll.u32 s16, $0x7;
	s7 =	sshrl.u32 s6, $0x1;
	s8 =	sadd.s32 s10, s11  }
0xa: {  	s14 =	ssub.s32 s6, s7;
	s6 =	sadd.s32 $0xA00, s5;
	s22 =	sadd.s32 $0x1400, s5  }
0xb: {  	s24 =	sadd.s32 $0x1E00, s5;
	s25 =	sshrl.u32 s8, $0x3;
	s8 =	sadd.s32 s5, s3  }
0xc: {  	s9 =	sshll.u32 s6, $0x1;
	s21 =	smin.u32 s22, $0x26700;
	s14 =	smax.u32 s14, $0x1  }
0xd: {  	s7 =	sadd.s32 s0, s25;
	s9 =	sadd.s32 s10, s9;
	s25 =	smin.u32 s24, $0x26700  }
0xe: {  	s12 =	sshll.u32 s21, $0x1;
	v0 =	vmov s21;
	s21 =	simm.s32 $0xA00;
	s9 =	sshrl.u32 s9, $0x3  }
0xf: {  	s13 =	sshll.u32 s25, $0x1;
	s12 =	sadd.s32 s10, s12;
	s9 =	sadd.s32 s0, s9  }
0x10: {  	v2 =	vmov s16;
	s10 =	sadd.s32 s10, s13;
	s12 =	sshrl.u32 s12, $0x3;
	s13 =	sor.u32 s26, s11  }
0x11: {  	v5 =	vlaneseq.u32;
	v6 =	vimm.f32 $1.000000000e+00;
	v4 =	vshll.u32 v2, $0x7;
	s15 =	sshrl.u32 s10, $0x3;
	s10 =	sadd.s32 s0, s12;
	s28 =	sshrl.u32 s13, $0x3  }
0x12: {  	v7 =	vimm.f32 $0.0e+00;
	v8 =	vadd.s32 $0xFFFFFFFF, v5;
	v4 =	vbroadcast v4, $0x0;
	s12 =	smul.u32 $0x280, s2;
	s11 =	sadd.s32 s0, s15;
	s13 =	sadd.s32 s1, s28  }
0x13: {  	v1 =	vmov s22;
	v3 =	vmov s24;
	v2 =	vmov s25;
	s15 =	simm.s32 $0x4F00;
	s1 =	simm.s32 $0x10;
	s0 =	simm.s32 $0x0  }
.LBB2_1:
0x14: {  	s16 =	rddreg [dreg:$0x0]  }
0x15: {  	[tilespmem:s4], [sflag:$0x1] =	stream.linear.gather [hbm4b:s16+s4], $0x4F00, $0x38;
	[tilespmem:$0xFB80] =	vst v63  }
0x16: {  	s16 =	simm.s32 $0x0  }
0x17: {  	[tilespmem:s15], [sflag:$0x2] =	stream.linear.gather [hbm4b:s7+s4], $0x1400, $0x38;
	[tilespmem:$0xFB80] =	vst v63  }
.LBB2_2:
0x18: {  	p0 =	sne.s32 s16, $0x27C0  }
.Ltmp0:
0x19: {  	_ = 	snop;
	(pc) =	sbr.rel @p0 .LBB2_2-.Ltmp0, $3  }
0x1a: {  	_ =	sdelay $0x1  }
0x1b: {  	s22 =	sshra.s32 s16, $0x2  }
0x1c: {  	s16 =	sadd.s32 $0x40, s16;
	[tilespmem:s22+$0x7700] =	vst v6  }
0x1d: {  	s16 =	simm.s32 $0x40;
	s22 =	simm.s32 $0x0  }
.LBB2_4:
0x1e: {  	p0 =	sne.s32 s16, $0x9FC0;
	[tilespmem:s22+$0x8100] =	vst v7;
	s22 =	smov.u32 s16;
	s16 =	sadd.s32 $0x40, s16  }
.Ltmp1:
0x1f: {  	(pc) =	sbr.rel @p0 .LBB2_4-.Ltmp1, $2  }
0x20: {  	_ =	sdelay $0x2  }
0x21: {  	s22 =	sshra.s32 s22, $0x2  }
0x22: {  	[tilespmem:s22+$0x8100] =	vst v7;
	s16 =	simm.s32 $0x8100  }
0x23: {  	[spmem:s8] =	stream.linear.scatter [tilespmem:s16], [sflag:$0x4], $0x2800, $0x38;
	[tilespmem:$0xFB80] =	vst v63  }
0x24: {  	_ =	swait.ge [sflag:s17], $0x2800  }
0x25: {  	[sflag:s17] =	ssyncset.done $0x0  }
0x26: {  	[sflag:s17] =	ssyncadd.s32 $0xFFFFD800  }
0x27: {  	_ =	swait.ge [sflag:s18], $0x4F00  }
0x28: {  	[sflag:s18] =	ssyncset.done $0x0  }
0x29: {  	[sflag:s18] =	ssyncadd.s32 $0xFFFFB100  }
0x2a: {  	s26 =	simm.s32 $0x0;
	[bflag:$0x0] =	sbarrier.arrive $0xFFFF  }
0x2b: {  	[tilespmem:s19], [sflag:$0x2] =	stream.linear.gather [hbm4b:s9+s26], $0x1400, $0x38;
	[tilespmem:$0xFB80] =	vst v63  }
0x2c: {  	_ =	swait.ge [sflag:s20], $0x1400  }
0x2d: {  	s25 =	sand.u32 $0x70, s26;
	s24 =	sand.u32 $0x1F00, s26;
	[sflag:s20] =	ssyncset.done $0x0  }
0x2e: {  	s22 =	sor.u32 s25, s24;
	[sflag:s20] =	ssyncadd.s32 $0xFFFFEC00  }
0x2f: {  	v9 =	vld [tilespmem:s22+$0x4F00];
	_ =	sdelay $0x4  }
0x30: {  	v10 =	vadd.s32 $0xFFFFFFFF, v9  }
0x31: {  	vm0 =	vgt.s32 v10, $0x0  }
0x32: {  	v10 =	vnsel vm0, $0x0, v10  }
0x33: {  	v10 =	vmin.u32 v10, $0x270F  }
0x34: {  	v11 =	vshll.u32 v10, $0x1  }
0x35: {  	v10 =	vand.u32 $0x7F, v10;
	v11 =	vand.u32 $0x7F00, v11  }
0x36: {  	v10 =	vor.u32 v10, v11  }
0x37: {  	v10 =	vor.u32 v4, v10;
	_ =	sdelay $0x4  }
0x38: {  	v10 =	vld.idx.msk [tilespmem:v10+s4+$0x0], $0xffff;
	_ =	sdelay $0x2  }
0x39: {  	v11 =	vld [tilespmem:s22+$0x4F80];
	_ =	sdelay $0x1  }
0x3a: {  	v10 =	vmul.u32 $0x2800, v10  }
0x3b: {  	v12 =	vor.u32 s26, v5;
	vm15 =	veq.s32 v9, $0x0  }
0x3c: {  	s16 =	simm.s32 $0xA900;
	s26 =	sadd.s32 $0x0, s5;
	v9 =	vsel vm15, $0xA000, v10;
	v10 =	vand.u32 $0x7F, v12  }
0x3d: {  	s24 =	simm.s32 $0x20;
	p0 =	slt.u32 s26, $0x27100;
	s22 =	simm.s32 $0x10;
	v9 =	vadd.s32 v11, v9;
	v10 =	vadd.s32 $0x27F11, v10  }
0x3e: {  	s25 =	simm.s32 $0x20;
	s28 =	sand.u32 $0x1F00, s24;
	s26 =	sand.u32 $0x70, s22;
	v9 =	vpsel p0, v9, v10  }
.LBB2_6:
0x3f: {  	p0 =	sne.s32 s25, $0x9F0;
	s26 =	sor.u32 s26, s28;
	[tilespmem:s16+$0x0] =	vst v9  }
0x40: {  	v9 =	vld [tilespmem:s26+$0x4F00];
	_ =	sdelay $0x4  }
0x41: {  	v10 =	vadd.s32 $0xFFFFFFFF, v9  }
0x42: {  	vm0 =	vgt.s32 v10, $0x0  }
0x43: {  	v10 =	vnsel vm0, $0x0, v10  }
0x44: {  	v10 =	vmin.u32 v10, $0x270F  }
0x45: {  	v11 =	vshll.u32 v10, $0x1  }
0x46: {  	v10 =	vand.u32 $0x7F, v10;
	v11 =	vand.u32 $0x7F00, v11  }
0x47: {  	v10 =	vor.u32 v10, v11  }
0x48: {  	v10 =	vor.u32 v4, v10;
	_ =	sdelay $0x4  }
0x49: {  	v10 =	vld.idx.msk [tilespmem:v10+s4+$0x0], $0xffff;
	_ =	sdelay $0x3  }
0x4a: {  	v11 =	vld [tilespmem:s26+$0x4F80];
	_ =	sdelay $0x1  }
.Ltmp2:
0x4b: {  	v10 =	vmul.u32 $0x2800, v10;
	(pc) =	sbr.rel @p0 .LBB2_6-.Ltmp2, $4  }
0x4c: {  	v12 =	vor.u32 s22, v5;
	vm0 =	veq.s32 v9, $0x0  }
0x4d: {  	s26 =	sadd.s32 s5, s22;
	s22 =	smov.u32 s25;
	v9 =	vsel vm0, $0xA000, v10;
	v10 =	vand.u32 $0x7F, v12  }
0x4e: {  	s24 =	sadd.s32 $0x20, s24;
	s16 =	sadd.s32 $0x10, s16;
	p1 =	slt.u32 s26, $0x27100;
	v10 =	vadd.s32 $0x27F11, v10;
	v9 =	vadd.s32 v11, v9  }
0x4f: {  	s28 =	sand.u32 $0x1F00, s24;
	s25 =	sadd.s32 $0x10, s25;
	s26 =	sand.u32 $0x70, s22;
	v9 =	vpsel p1, v9, v10  }
0x50: {  	s24 =	sor.u32 s26, s28;
	[tilespmem:s16+$0x0] =	vst v9  }
0x51: {  	v9 =	vld [tilespmem:s24+$0x4F00];
	_ =	sdelay $0x4  }
0x52: {  	v10 =	vadd.s32 $0xFFFFFFFF, v9  }
0x53: {  	vm0 =	vgt.s32 v10, $0x0  }
0x54: {  	v10 =	vnsel vm0, $0x0, v10  }
0x55: {  	v10 =	vmin.u32 v10, $0x270F  }
0x56: {  	v11 =	vshll.u32 v10, $0x1  }
0x57: {  	v10 =	vand.u32 $0x7F, v10;
	v11 =	vand.u32 $0x7F00, v11  }
0x58: {  	v10 =	vor.u32 v10, v11  }
0x59: {  	v10 =	vor.u32 v4, v10;
	_ =	sdelay $0x4  }
0x5a: {  	v10 =	vld.idx.msk [tilespmem:v10+s4+$0x0], $0xffff;
	_ =	sdelay $0x2  }
0x5b: {  	v11 =	vld [tilespmem:s24+$0x4F80];
	_ =	sdelay $0x1  }
0x5c: {  	v10 =	vmul.u32 $0x2800, v10  }
0x5d: {  	v12 =	vor.u32 s22, v5;
	vm13 =	veq.s32 v9, $0x0  }
0x5e: {  	s26 =	sadd.s32 s5, s22;
	v9 =	vsel vm13, $0xA000, v10;
	v10 =	vand.u32 $0x7F, v12  }
0x5f: {  	p0 =	slt.u32 s26, $0x27100;
	v9 =	vadd.s32 v11, v9;
	v10 =	vadd.s32 $0x27F11, v10  }
0x60: {  	s24 =	sadd.s32 $0x10, s16;
	v9 =	vpsel p0, v9, v10  }
0x61: {  	s25 =	simm.s32 $0xA900;
	[tilespmem:s24+$0x0] =	vst v9  }
0x62: {  	[spmem:s3] =	stream.indirect.scatter.add.f32 [tilespmem:s23], [sflag:$0x3], $0x1, s25, s21, $0xb8;
	[tilespmem:$0xFB80] =	vst v63  }
0x63: {  	s26 =	simm.s32 $0x0  }
0x64: {  	[tilespmem:s15], [sflag:$0x2] =	stream.linear.gather [hbm4b:s10+s26], $0x1400, $0x38;
	[tilespmem:$0xFB80] =	vst v63  }
0x65: {  	_ =	swait.ge [sflag:s20], $0x1400  }
0x66: {  	s24 =	sand.u32 $0x70, s26;
	s25 =	sand.u32 $0x1F00, s26;
	[sflag:s20] =	ssyncset.done $0x0  }
0x67: {  	s22 =	sor.u32 s24, s25;
	[sflag:s20] =	ssyncadd.s32 $0xFFFFEC00  }
0x68: {  	v9 =	vld [tilespmem:s22+$0x6300];
	_ =	sdelay $0x4  }
0x69: {  	v10 =	vadd.s32 $0xFFFFFFFF, v9  }
0x6a: {  	vm14 =	vgt.s32 v10, $0x0  }
0x6b: {  	v10 =	vnsel vm14, $0x0, v10  }
0x6c: {  	v10 =	vmin.u32 v10, $0x270F  }
0x6d: {  	v11 =	vshll.u32 v10, $0x1  }
0x6e: {  	v10 =	vand.u32 $0x7F, v10;
	v11 =	vand.u32 $0x7F00, v11  }
0x6f: {  	v10 =	vor.u32 v10, v11  }
0x70: {  	v10 =	vor.u32 v4, v10;
	_ =	sdelay $0x4  }
0x71: {  	v10 =	vld.idx.msk [tilespmem:v10+s4+$0x0], $0xffff;
	_ =	sdelay $0x2  }
0x72: {  	v11 =	vld [tilespmem:s22+$0x6380];
	_ =	sdelay $0x1  }
0x73: {  	v10 =	vmul.u32 $0x2800, v10  }
0x74: {  	v63 =	vor.u32 s26, v5;
	vm15 =	veq.s32 v9, $0x0  }
0x75: {  	s16 =	simm.s32 $0xB300;
	s26 =	sadd.s32 $0x0, s6;
	v9 =	vsel vm15, $0xA000, v10;
	v10 =	vand.u32 $0x7F, v63  }
0x76: {  	s24 =	simm.s32 $0x20;
	p6 =	slt.u32 s26, $0x27100;
	s22 =	simm.s32 $0x10;
	v9 =	vadd.s32 v11, v9;
	v10 =	vadd.s32 $0x27F11, v10  }
0x77: {  	s25 =	simm.s32 $0x20;
	s28 =	sand.u32 $0x1F00, s24;
	s26 =	sand.u32 $0x70, s22;
	v9 =	vpsel p6, v9, v10  }
.LBB2_8:
0x78: {  	p0 =	sne.s32 s25, $0x9F0;
	s26 =	sor.u32 s26, s28;
	[tilespmem:s16+$0x0] =	vst v9  }
0x79: {  	v9 =	vld [tilespmem:s26+$0x6300];
	_ =	sdelay $0x4  }
0x7a: {  	v10 =	vadd.s32 $0xFFFFFFFF, v9  }
0x7b: {  	vm0 =	vgt.s32 v10, $0x0  }
0x7c: {  	v10 =	vnsel vm0, $0x0, v10  }
0x7d: {  	v10 =	vmin.u32 v10, $0x270F  }
0x7e: {  	v11 =	vshll.u32 v10, $0x1  }
0x7f: {  	v10 =	vand.u32 $0x7F, v10;
	v11 =	vand.u32 $0x7F00, v11  }
0x80: {  	v10 =	vor.u32 v10, v11  }
0x81: {  	v10 =	vor.u32 v4, v10;
	_ =	sdelay $0x4  }
0x82: {  	v10 =	vld.idx.msk [tilespmem:v10+s4+$0x0], $0xffff;
	_ =	sdelay $0x3  }
0x83: {  	v11 =	vld [tilespmem:s26+$0x6380];
	_ =	sdelay $0x1  }
.Ltmp3:
0x84: {  	v10 =	vmul.u32 $0x2800, v10;
	(pc) =	sbr.rel @p0 .LBB2_8-.Ltmp3, $4  }
0x85: {  	v12 =	vor.u32 s22, v5;
	vm0 =	veq.s32 v9, $0x0  }
0x86: {  	s26 =	sadd.s32 s6, s22;
	s22 =	smov.u32 s25;
	v9 =	vsel vm0, $0xA000, v10;
	v10 =	vand.u32 $0x7F, v12  }
0x87: {  	s24 =	sadd.s32 $0x20, s24;
	s16 =	sadd.s32 $0x10, s16;
	p1 =	slt.u32 s26, $0x27100;
	v10 =	vadd.s32 $0x27F11, v10;
	v9 =	vadd.s32 v11, v9  }
0x88: {  	s28 =	sand.u32 $0x1F00, s24;
	s25 =	sadd.s32 $0x10, s25;
	s26 =	sand.u32 $0x70, s22;
	v9 =	vpsel p1, v9, v10  }
0x89: {  	s24 =	sor.u32 s26, s28;
	[tilespmem:s16+$0x0] =	vst v9  }
0x8a: {  	v9 =	vld [tilespmem:s24+$0x6300];
	_ =	sdelay $0x4  }
0x8b: {  	v10 =	vadd.s32 $0xFFFFFFFF, v9  }
0x8c: {  	vm0 =	vgt.s32 v10, $0x0  }
0x8d: {  	v10 =	vnsel vm0, $0x0, v10  }
0x8e: {  	v10 =	vmin.u32 v10, $0x270F  }
0x8f: {  	v11 =	vshll.u32 v10, $0x1  }
0x90: {  	v10 =	vand.u32 $0x7F, v10;
	v11 =	vand.u32 $0x7F00, v11  }
0x91: {  	v10 =	vor.u32 v10, v11  }
0x92: {  	v10 =	vor.u32 v4, v10;
	_ =	sdelay $0x4  }
0x93: {  	v10 =	vld.idx.msk [tilespmem:v10+s4+$0x0], $0xffff;
	_ =	sdelay $0x2  }
0x94: {  	v11 =	vld [tilespmem:s24+$0x6380];
	_ =	sdelay $0x1  }
0x95: {  	v10 =	vmul.u32 $0x2800, v10  }
0x96: {  	v12 =	vor.u32 s22, v5;
	vm12 =	veq.s32 v9, $0x0  }
0x97: {  	s26 =	sadd.s32 s6, s22;
	v9 =	vsel vm12, $0xA000, v10;
	v10 =	vand.u32 $0x7F, v12  }
0x98: {  	p0 =	slt.u32 s26, $0x27100;
	v9 =	vadd.s32 v11, v9;
	v10 =	vadd.s32 $0x27F11, v10  }
0x99: {  	s22 =	sadd.s32 $0x10, s16;
	v9 =	vpsel p0, v9, v10  }
0x9a: {  	s24 =	simm.s32 $0xB300;
	[tilespmem:s22+$0x0] =	vst v9  }
0x9b: {  	[spmem:s3] =	stream.indirect.scatter.add.f32 [tilespmem:s23], [sflag:$0x3], $0x1, s24, s21, $0xb8;
	[tilespmem:$0xFB80] =	vst v63  }
0x9c: {  	s16 =	simm.s32 $0x0  }
0x9d: {  	[tilespmem:s19], [sflag:$0x2] =	stream.linear.gather [hbm4b:s11+s16], $0x1400, $0x38;
	[tilespmem:$0xFB80] =	vst v63  }
0x9e: {  	_ =	swait.ge [sflag:s20], $0x1400  }
0x9f: {  	s25 =	sand.u32 $0x70, s16;
	s26 =	sand.u32 $0x1F00, s16;
	[sflag:s20] =	ssyncset.done $0x0  }
0xa0: {  	s22 =	sor.u32 s25, s26;
	[sflag:s20] =	ssyncadd.s32 $0xFFFFEC00  }
0xa1: {  	v9 =	vld [tilespmem:s22+$0x4F00];
	_ =	sdelay $0x4  }
0xa2: {  	v10 =	vadd.s32 $0xFFFFFFFF, v9  }
0xa3: {  	vm13 =	vgt.s32 v10, $0x0  }
0xa4: {  	v10 =	vnsel vm13, $0x0, v10  }
0xa5: {  	v10 =	vmin.u32 v10, $0x270F  }
0xa6: {  	v11 =	vshll.u32 v10, $0x1  }
0xa7: {  	v10 =	vand.u32 $0x7F, v10;
	v11 =	vand.u32 $0x7F00, v11  }
0xa8: {  	v10 =	vor.u32 v10, v11  }
0xa9: {  	v10 =	vor.u32 v4, v10;
	_ =	sdelay $0x4  }
0xaa: {  	v10 =	vld.idx.msk [tilespmem:v10+s4+$0x0], $0xffff;
	_ =	sdelay $0x2  }
0xab: {  	v11 =	vld [tilespmem:s22+$0x4F80];
	_ =	sdelay $0x1  }
0xac: {  	v63 =	vor.u32 s16, v5;
	v10 =	vmul.u32 $0x2800, v10  }
0xad: {  	v12 =	vand.u32 $0x7F, v63;
	vm14 =	veq.s32 v9, $0x0;
	v9 =	vadd.s32 v0, v63  }
0xae: {  	vm1 =	vge.u32 v9, v1;
	vm2 =	vlt.u32 v9, $0x27100;
	v9 =	vsel vm14, $0xA000, v10  }
0xaf: {  	s25 =	simm.s32 $0x20;
	s24 =	simm.s32 $0x20;
	vm15 =	vmand vm1, vm2;
	s22 =	simm.s32 $0x10;
	v10 =	vadd.s32 $0x27F11, v12;
	v9 =	vadd.s32 v11, v9  }
0xb0: {  	s28 =	sand.u32 $0x1F00, s24;
	s16 =	simm.s32 $0xBD00;
	s26 =	sand.u32 $0x70, s22;
	v9 =	vsel vm15, v9, v10  }
.LBB2_10:
0xb1: {  	p0 =	sne.s32 s25, $0x9F0;
	s26 =	sor.u32 s26, s28;
	[tilespmem:s16+$0x0] =	vst v9  }
0xb2: {  	v9 =	vld [tilespmem:s26+$0x4F00];
	_ =	sdelay $0x4  }
0xb3: {  	v10 =	vadd.s32 $0xFFFFFFFF, v9  }
0xb4: {  	vm0 =	vgt.s32 v10, $0x0  }
0xb5: {  	v10 =	vnsel vm0, $0x0, v10  }
0xb6: {  	v10 =	vmin.u32 v10, $0x270F  }
0xb7: {  	v11 =	vshll.u32 v10, $0x1  }
0xb8: {  	v10 =	vand.u32 $0x7F, v10;
	v11 =	vand.u32 $0x7F00, v11  }
0xb9: {  	v10 =	vor.u32 v10, v11  }
0xba: {  	v10 =	vor.u32 v4, v10;
	_ =	sdelay $0x4  }
0xbb: {  	v10 =	vld.idx.msk [tilespmem:v10+s4+$0x0], $0xffff;
	_ =	sdelay $0x3  }
0xbc: {  	v11 =	vld [tilespmem:s26+$0x4F80];
	_ =	sdelay $0x1  }
.Ltmp4:
0xbd: {  	v12 =	vor.u32 s22, v5;
	s22 =	smov.u32 s25;
	v10 =	vmul.u32 $0x2800, v10;
	(pc) =	sbr.rel @p0 .LBB2_10-.Ltmp4, $4  }
0xbe: {  	vm0 =	veq.s32 v9, $0x0;
	v9 =	vadd.s32 v0, v12;
	v12 =	vand.u32 $0x7F, v12  }
0xbf: {  	vm1 =	vge.u32 v9, v1;
	vm2 =	vlt.u32 v9, $0x27100;
	v9 =	vsel vm0, $0xA000, v10  }
0xc0: {  	s24 =	sadd.s32 $0x20, s24;
	s16 =	sadd.s32 $0x10, s16;
	vm0 =	vmand vm1, vm2;
	v10 =	vadd.s32 $0x27F11, v12;
	v9 =	vadd.s32 v11, v9  }
0xc1: {  	s25 =	sadd.s32 $0x10, s25;
	s28 =	sand.u32 $0x1F00, s24;
	s26 =	sand.u32 $0x70, s22;
	v9 =	vsel vm0, v9, v10  }
0xc2: {  	s24 =	sor.u32 s26, s28;
	[tilespmem:s16+$0x0] =	vst v9  }
0xc3: {  	v9 =	vld [tilespmem:s24+$0x4F00];
	_ =	sdelay $0x4  }
0xc4: {  	v10 =	vadd.s32 $0xFFFFFFFF, v9  }
0xc5: {  	vm0 =	vgt.s32 v10, $0x0  }
0xc6: {  	v10 =	vnsel vm0, $0x0, v10  }
0xc7: {  	v10 =	vmin.u32 v10, $0x270F  }
0xc8: {  	v11 =	vshll.u32 v10, $0x1  }
0xc9: {  	v10 =	vand.u32 $0x7F, v10;
	v11 =	vand.u32 $0x7F00, v11  }
0xca: {  	v10 =	vor.u32 v10, v11  }
0xcb: {  	v10 =	vor.u32 v4, v10;
	_ =	sdelay $0x4  }
0xcc: {  	v10 =	vld.idx.msk [tilespmem:v10+s4+$0x0], $0xffff;
	_ =	sdelay $0x2  }
0xcd: {  	v11 =	vld [tilespmem:s24+$0x4F80];
	_ =	sdelay $0x1  }
0xce: {  	v12 =	vor.u32 s22, v5;
	v10 =	vmul.u32 $0x2800, v10  }
0xcf: {  	vm9 =	veq.s32 v9, $0x0;
	v9 =	vadd.s32 v0, v12;
	v12 =	vand.u32 $0x7F, v12  }
0xd0: {  	vm1 =	vge.u32 v9, v1;
	vm2 =	vlt.u32 v9, $0x27100;
	v9 =	vsel vm9, $0xA000, v10  }
0xd1: {  	vm10 =	vmand vm1, vm2;
	v10 =	vadd.s32 $0x27F11, v12;
	v9 =	vadd.s32 v11, v9  }
0xd2: {  	s22 =	sadd.s32 $0x10, s16;
	v9 =	vsel vm10, v9, v10  }
0xd3: {  	s24 =	simm.s32 $0xBD00;
	[tilespmem:s22+$0x0] =	vst v9  }
0xd4: {  	[spmem:s3] =	stream.indirect.scatter.add.f32 [tilespmem:s23], [sflag:$0x3], $0x1, s24, s21, $0xb8;
	[tilespmem:$0xFB80] =	vst v63  }
0xd5: {  	s16 =	simm.s32 $0x0;
	_ =	swait.ge [sflag:s20], $0x1400  }
0xd6: {  	s25 =	sand.u32 $0x70, s16;
	s26 =	sand.u32 $0x1F00, s16;
	[sflag:s20] =	ssyncset.done $0x0  }
0xd7: {  	s22 =	sor.u32 s25, s26;
	[sflag:s20] =	ssyncadd.s32 $0xFFFFEC00  }
0xd8: {  	v9 =	vld [tilespmem:s22+$0x6300];
	_ =	sdelay $0x4  }
0xd9: {  	v10 =	vadd.s32 $0xFFFFFFFF, v9  }
0xda: {  	vm11 =	vgt.s32 v10, $0x0  }
0xdb: {  	v10 =	vnsel vm11, $0x0, v10  }
0xdc: {  	v10 =	vmin.u32 v10, $0x270F  }
0xdd: {  	v11 =	vshll.u32 v10, $0x1  }
0xde: {  	v10 =	vand.u32 $0x7F, v10;
	v11 =	vand.u32 $0x7F00, v11  }
0xdf: {  	v10 =	vor.u32 v10, v11  }
0xe0: {  	v10 =	vor.u32 v4, v10;
	_ =	sdelay $0x4  }
0xe1: {  	v10 =	vld.idx.msk [tilespmem:v10+s4+$0x0], $0xffff;
	_ =	sdelay $0x2  }
0xe2: {  	v11 =	vld [tilespmem:s22+$0x6380];
	_ =	sdelay $0x1  }
0xe3: {  	v63 =	vor.u32 s16, v5;
	v10 =	vmul.u32 $0x2800, v10  }
0xe4: {  	v12 =	vand.u32 $0x7F, v63;
	vm12 =	veq.s32 v9, $0x0;
	v9 =	vadd.s32 v2, v63  }
0xe5: {  	vm13 =	vge.u32 v9, v3;
	vm14 =	vlt.u32 v9, $0x27100;
	v9 =	vsel vm12, $0xA000, v10  }
0xe6: {  	s16 =	simm.s32 $0xC700;
	s24 =	simm.s32 $0x20;
	vm15 =	vmand vm13, vm14;
	s22 =	simm.s32 $0x10;
	v10 =	vadd.s32 $0x27F11, v12;
	v9 =	vadd.s32 v11, v9  }
0xe7: {  	s25 =	simm.s32 $0x20;
	s28 =	sand.u32 $0x1F00, s24;
	s26 =	sand.u32 $0x70, s22;
	v9 =	vsel vm15, v9, v10  }
.LBB2_12:
0xe8: {  	p0 =	sne.s32 s25, $0x9F0;
	s26 =	sor.u32 s26, s28;
	[tilespmem:s16+$0x0] =	vst v9  }
0xe9: {  	v9 =	vld [tilespmem:s26+$0x6300];
	_ =	sdelay $0x4  }
0xea: {  	v10 =	vadd.s32 $0xFFFFFFFF, v9  }
0xeb: {  	vm0 =	vgt.s32 v10, $0x0  }
0xec: {  	v10 =	vnsel vm0, $0x0, v10  }
0xed: {  	v10 =	vmin.u32 v10, $0x270F  }
0xee: {  	v11 =	vshll.u32 v10, $0x1  }
0xef: {  	v10 =	vand.u32 $0x7F, v10;
	v11 =	vand.u32 $0x7F00, v11  }
0xf0: {  	v10 =	vor.u32 v10, v11  }
0xf1: {  	v10 =	vor.u32 v4, v10;
	_ =	sdelay $0x4  }
0xf2: {  	v10 =	vld.idx.msk [tilespmem:v10+s4+$0x0], $0xffff;
	_ =	sdelay $0x3  }
0xf3: {  	v11 =	vld [tilespmem:s26+$0x6380];
	_ =	sdelay $0x1  }
.Ltmp5:
0xf4: {  	v12 =	vor.u32 s22, v5;
	s22 =	smov.u32 s25;
	v10 =	vmul.u32 $0x2800, v10;
	(pc) =	sbr.rel @p0 .LBB2_12-.Ltmp5, $4  }
0xf5: {  	vm0 =	veq.s32 v9, $0x0;
	v9 =	vadd.s32 v2, v12;
	v12 =	vand.u32 $0x7F, v12  }
0xf6: {  	vm1 =	vge.u32 v9, v3;
	vm2 =	vlt.u32 v9, $0x27100;
	v9 =	vsel vm0, $0xA000, v10  }
0xf7: {  	s24 =	sadd.s32 $0x20, s24;
	s16 =	sadd.s32 $0x10, s16;
	vm0 =	vmand vm1, vm2;
	v10 =	vadd.s32 $0x27F11, v12;
	v9 =	vadd.s32 v11, v9  }
0xf8: {  	s25 =	sadd.s32 $0x10, s25;
	s28 =	sand.u32 $0x1F00, s24;
	s26 =	sand.u32 $0x70, s22;
	v9 =	vsel vm0, v9, v10  }
0xf9: {  	s24 =	sor.u32 s26, s28;
	[tilespmem:s16+$0x0] =	vst v9  }
0xfa: {  	v9 =	vld [tilespmem:s24+$0x6300];
	_ =	sdelay $0x4  }
0xfb: {  	v10 =	vadd.s32 $0xFFFFFFFF, v9  }
0xfc: {  	vm0 =	vgt.s32 v10, $0x0  }
0xfd: {  	v10 =	vnsel vm0, $0x0, v10  }
0xfe: {  	v10 =	vmin.u32 v10, $0x270F  }
0xff: {  	v11 =	vshll.u32 v10, $0x1  }
0x100: {  	v10 =	vand.u32 $0x7F, v10;
	v11 =	vand.u32 $0x7F00, v11  }
0x101: {  	v10 =	vor.u32 v10, v11  }
0x102: {  	v10 =	vor.u32 v4, v10;
	_ =	sdelay $0x4  }
0x103: {  	v11 =	vadd.s32 s12, v8;
	v10 =	vld.idx.msk [tilespmem:v10+s4+$0x0], $0xffff  }
0x104: {  	vm13 =	vgt.s32 v11, $0x0  }
0x105: {  	v11 =	vnsel vm13, $0x0, v11  }
0x106: {  	v13 =	vor.u32 s22, v5;
	v12 =	vld [tilespmem:s24+$0x6380];
	v11 =	vmin.u32 v11, $0x270F  }
0x107: {  	v14 =	vadd.s32 v2, v13;
	vm14 =	veq.s32 v9, $0x0;
	v9 =	vshll.u32 v11, $0x1  }
0x108: {  	v11 =	vand.u32 $0x7F, v11;
	v9 =	vand.u32 $0x7F00, v9;
	v10 =	vmul.u32 $0x2800, v10  }
0x109: {  	vm1 =	vge.u32 v14, v3;
	vm2 =	vlt.u32 v14, $0x27100;
	v9 =	vor.u32 v11, v9  }
0x10a: {  	v11 =	vand.u32 $0x7F, v13;
	v9 =	vor.u32 v4, v9;
	v10 =	vsel vm14, $0xA000, v10  }
0x10b: {  	vm15 =	vmand vm1, vm2;
	v11 =	vadd.s32 $0x27F11, v11;
	v10 =	vadd.s32 v12, v10  }
0x10c: {  	s26 =	sadd.s32 $0x10, s16;
	v10 =	vsel vm15, v10, v11  }
0x10d: {  	s28 =	simm.s32 $0xC700;
	s16 =	sadd.s32 $0x10, s12;
	s22 =	simm.s32 $0x40;
	[tilespmem:s26+$0x0] =	vst v10  }
0x10e: {  	[spmem:s3] =	stream.indirect.scatter.add.f32 [tilespmem:s23], [sflag:$0x3], $0x1, s28, s21, $0xb8;
	[tilespmem:$0xFB80] =	vst v63  }
0x10f: {  	s25 =	smov.u32 s12;
	s24 =	simm.s32 $0x0;
	v10 =	vadd.s32 s16, v8;
	s26 =	simm.s32 $0x80;
	v9 =	vld.idx.msk [tilespmem:v9+s4+$0x0], $0xffff  }
.LBB2_14:
0x110: {  	p0 =	sne.s32 s26, $0x9C0;
	vm0 =	vgt.s32 v10, $0x0  }
0x111: {  	v10 =	vnsel vm0, $0x0, v10  }
0x112: {  	v10 =	vmin.u32 v10, $0x270F  }
0x113: {  	v11 =	vshll.u32 v10, $0x1  }
0x114: {  	v10 =	vand.u32 $0x7F, v10;
	v9 =	vmul.u32 $0x2800, v9;
	v11 =	vand.u32 $0x7F00, v11  }
0x115: {  	v10 =	vor.u32 v10, v11;
	v11 =	vmov s25  }
0x116: {  	v9 =	vadd.s32 $0x14000, v9;
	v10 =	vor.u32 v4, v10;
	vm0 =	veq.s32 v11, v5  }
0x117: {  	v9 =	vsel vm0, $0x1E000, v9  }
.Ltmp6:
0x118: {  	v9 =	vadd.s32 s25, v9;
	s25 =	smov.u32 s16;
	(pc) =	sbr.rel @p0 .LBB2_14-.Ltmp6, $4  }
0x119: {  	s28 =	sshra.s32 s24, $0x2;
	s24 =	smov.u32 s22;
	s22 =	smov.u32 s26;
	v9 =	vadd.s32 v5, v9  }
0x11a: {  	[tilespmem:s28+$0xD100] =	vst v9  }
0x11b: {  	s16 =	sadd.s32 $0x10, s16;
	v9 =	vld.idx.msk [tilespmem:v10+s4+$0x0], $0xffff  }
0x11c: {  	s26 =	sadd.s32 $0x40, s26;
	v10 =	vadd.s32 s16, v8  }
0x11d: {  	vm0 =	vgt.s32 v10, $0x0  }
0x11e: {  	v10 =	vnsel vm0, $0x0, v10  }
0x11f: {  	v10 =	vmin.u32 v10, $0x270F  }
0x120: {  	v11 =	vshll.u32 v10, $0x1  }
0x121: {  	v10 =	vand.u32 $0x7F, v10;
	v9 =	vmul.u32 $0x2800, v9;
	v11 =	vand.u32 $0x7F00, v11  }
0x122: {  	v10 =	vor.u32 v10, v11;
	v11 =	vmov s25  }
0x123: {  	v9 =	vadd.s32 $0x14000, v9;
	v10 =	vor.u32 v4, v10;
	vm14 =	veq.s32 v11, v5  }
0x124: {  	v9 =	vsel vm14, $0x1E000, v9  }
0x125: {  	v9 =	vadd.s32 s25, v9  }
0x126: {  	s24 =	sshra.s32 s24, $0x2;
	v9 =	vadd.s32 v5, v9  }
0x127: {  	[tilespmem:s24+$0xD100] =	vst v9  }
0x128: {  	v9 =	vld.idx.msk [tilespmem:v10+s4+$0x0], $0xffff;
	_ =	sdelay $0x4  }
0x129: {  	v9 =	vmul.u32 $0x2800, v9  }
0x12a: {  	v10 =	vmov s16  }
0x12b: {  	vm15 =	veq.s32 v10, v5;
	v9 =	vadd.s32 $0x14000, v9  }
0x12c: {  	v9 =	vsel vm15, $0x1E000, v9  }
0x12d: {  	v9 =	vadd.s32 s16, v9  }
0x12e: {  	s24 =	sshra.s32 s22, $0x2;
	v9 =	vadd.s32 v5, v9  }
0x12f: {  	s25 =	simm.s32 $0x280;
	[tilespmem:s24+$0xD100] =	vst v9  }
0x130: {  	[spmem:s3] =	stream.indirect.scatter.add.f32 [tilespmem:s23], [sflag:$0x3], $0x1, s29, s25, $0xb8;
	[tilespmem:$0xFB80] =	vst v63  }
0x131: {  	_ =	swait.ge [sflag:s30], $0xA00  }
0x132: {  	[sflag:s30] =	ssyncset.done $0x0  }
0x133: {  	[sflag:s30] =	ssyncadd.s32 $0xFFFFF600  }
0x134: {  	_ =	swait.ge [sflag:s30], $0xA00  }
0x135: {  	[sflag:s30] =	ssyncset.done $0x0  }
0x136: {  	[sflag:s30] =	ssyncadd.s32 $0xFFFFF600  }
0x137: {  	_ =	swait.ge [sflag:s30], $0xA00  }
0x138: {  	[sflag:s30] =	ssyncset.done $0x0  }
0x139: {  	[sflag:s30] =	ssyncadd.s32 $0xFFFFF600  }
0x13a: {  	_ =	swait.ge [sflag:s30], $0xA00  }
0x13b: {  	[sflag:s30] =	ssyncset.done $0x0  }
0x13c: {  	[sflag:s30] =	ssyncadd.s32 $0xFFFFF600  }
0x13d: {  	_ =	swait.ge [sflag:s30], $0x280  }
0x13e: {  	s26 =	sshll.u32 s2, $0x6;
	s0 =	sadd.s32 $0x1, s0;
	[sflag:s30] =	ssyncset.done $0x0  }
0x13f: {  	s28 =	sshrl.u32 s8, $0x3;
	p0 =	sne.s32 s0, s14;
	[sflag:s30] =	ssyncadd.s32 $0xFFFFFD80  }
.Ltmp7:
0x140: {  	s16 =	sor.u32 $0x1C04, s26;
	[bflag:$0x0] =	sbarrier.arrive $0xFFFF;
	(pc) =	sbr.rel @p0 .LBB2_1-.Ltmp7, $4  }
0x141: {  	[hbm:s13@s31], [sflag:s16] =	dma.strided [spmem:s28@s1], $0x500, s18, $0x10   }
0x142: {  	_ =	swait.ge [sflag:s17], $0x500  }
0x143: {  	[sflag:s17] =	ssyncset.done $0x0  }
0x144: {  	[sflag:s17] =	ssyncadd.s32 $0xFFFFFB00  }
0x145: {  	_ =	sfence.sel $0x180000  }
0x146: {  	[bflag:$0x0] =	sbarrier.arrive $0xFFFF  }
0x147: {  	_ =	strace $0x90000047  }
0x148: {  	[bflag:$0x2] =	sbarrier.arrive $0xFFFF  }
0x149: {  	p0 =	sne.s32 s2, $0x0;
	s0 =	rddreg [dreg:$0x4]  }
0x14a: {  	s0 =	sadd.s32 @!p0 $0x100000, s0  }
0x14b: {  	[sflag:s0] =	ssyncadd.tile.s32 @!p0 $0x1;
	_ =	shalt  }
.Lfunc_end2:
_tile_overlayer_lowered:
.L_overlay_start_2:
0x14c: {  	(tag) =	ssettag $0x2  }
0x14d: {  	s0 =	rddreg [dreg:$0x0];
	s2 =	stileid.u32  }
0x14e: {  	s1 =	rddreg [dreg:$0x1];
	p0 =	sne.s32 s2, $0x0  }
0x14f: {  	s3 =	rddreg [dreg:$0x2];
	[bflag:$0x3] =	sbarrier.arrive $0xFFFF;
	s2 =	simm.s32 @!p0 $0x1C04  }
0x150: {  	[timem:s3], [sflag:s2] =	dma.local @!p0 [hbm:s0], s1  }
0x151: {  	s0 =	simm.s32 @!p0 $0x4  }
0x152: {  	_ =	swait.ge @!p0 [sflag:s0], s1  }
0x153: {  	s1 =	ssub.s32 @!p0 $0x0, s1;
	[sflag:s0] =	ssyncset.done @!p0 $0x0  }
0x154: {  	[sflag:s0] =	ssyncadd.s32 @!p0 s1  }
0x155: {  	[bflag:$0x3] =	sbarrier.arrive $0xFFFF  }
0x156: {  	_ =	shalt  }

</sc_bundles>
